<compile_context>
chip_gen: v7x
topology: tpu7x:2x2x1
jax: 0.10.2.dev20260603
libtpu: 0.0.44.dev20260713+nightly
codegen_flags: <defaults>
</compile_context>

<pallas_src>
import functools

import jax
import jax.numpy as jnp
from jax import lax
from jax.experimental import pallas as pl
from jax.experimental.pallas import tpu as pltpu
from jax.experimental.pallas import tpu_sc as plsc

N = 4096
B = 16384
R = 256
NW = 32
BPW = B // NW
CH = 128
NCH = BPW // CH
G = (N * N) // CH


def _tc_lse_body(wA_ref, wBA_ref, wCB_ref, vecA_ref, negCB_ref):
    i = pl.program_id(0)
    wA = wA_ref[...]
    mA = jnp.max(wA)
    lseA = jnp.log(jnp.sum(jnp.exp(wA - mA))) + mA

    rows = wBA_ref[...]
    lse1 = jnp.log(jnp.sum(jnp.exp(rows), axis=1))

    rows2 = wCB_ref[...]
    lse2 = jnp.log(jnp.sum(jnp.exp(rows2), axis=1))

    vecA_ref[...] = wA_ref[pl.ds(i * R, R)] - lseA - lse1
    negCB_ref[...] = -lse2


def _tc_row_lse(w_A, w_B_A, w_C_B):
    return pl.pallas_call(
        _tc_lse_body,
        grid=(N // R,),
        in_specs=[
            pl.BlockSpec((N,), lambda i: (0,)),
            pl.BlockSpec((R, N), lambda i: (i, 0)),
            pl.BlockSpec((R, N), lambda i: (i, 0)),
        ],
        out_specs=[
            pl.BlockSpec((R,), lambda i: (i,)),
            pl.BlockSpec((R,), lambda i: (i,)),
        ],
        out_shape=[
            jax.ShapeDtypeStruct((N,), jnp.float32),
            jax.ShapeDtypeStruct((N,), jnp.float32),
        ],
    )(w_A, w_B_A, w_C_B)


def _sc_gather_body(vecA_hbm, negCB_hbm, wBA_hbm, wCB_hbm, idx_hbm, out_hbm,
                    idx_v, res_v, out_v, sem):
    nc = 2
    wid = lax.axis_index("s") * nc + lax.axis_index("c")
    base = wid * BPW
    pltpu.sync_copy(idx_hbm.at[wid], idx_v)

    tables = (vecA_hbm, negCB_hbm, wBA_hbm, wCB_hbm)
    copies = []
    for t in range(4):
        for k in range(NCH):
            copies.append(pltpu.async_copy(
                tables[t].at[idx_v.at[t, k]],
                res_v.at[t, pl.ds(k * CH, CH)],
                sem))
    for c in copies:
        c.wait()
    for j in range(BPW // 16):
        s = pl.ds(j * 16, 16)
        out_v[s] = (res_v[0, s] + res_v[1, s]) + (res_v[2, s] + res_v[3, s])
    pltpu.sync_copy(out_v, out_hbm.at[pl.ds(base, BPW)])


@functools.cache
def _sc_gather():
    return pl.kernel(
        _sc_gather_body,
        out_type=jax.ShapeDtypeStruct((B,), jnp.float32),
        mesh=plsc.VectorSubcoreMesh(core_axis_name="c", subcore_axis_name="s"),
        scratch_types=[
            pltpu.VMEM((4, NCH, CH), jnp.int32),
            pltpu.VMEM((4, BPW), jnp.float32),
            pltpu.VMEM((BPW,), jnp.float32),
            pltpu.SemaphoreType.DMA,
        ],
    )


def _chunk_view(w):
    return w.reshape(N // 8, 8, N // CH, CH).transpose(0, 2, 1, 3).reshape(G, CH)


def kernel(inputs, w_A, w_B_A, w_C_B):
    a = inputs[:, 0]
    b = inputs[:, 1]
    c = inputs[:, 2]
    vecA, negCB = _tc_row_lse(w_A, w_B_A, w_C_B)
    phys_ba = ((((a >> 3) * (N // CH) + (b >> 7)) * 8 + (a & 7)) * CH
               + (b & (CH - 1)))
    phys_cb = ((((b >> 3) * (N // CH) + (c >> 7)) * 8 + (b & 7)) * CH
               + (c & (CH - 1)))
    idx_all = jnp.stack([a, b, phys_ba, phys_cb], axis=0)
    idx_all = idx_all.reshape(4, NW, NCH, CH).transpose(1, 0, 2, 3)
    return _sc_gather()(vecA, negCB,
                        _chunk_view(w_B_A).reshape(N * N),
                        _chunk_view(w_C_B).reshape(N * N), idx_all)

# --- scband reference (transcript-rebuilt; emitter-appended) ---
"""Pipeline reference for scband-model-causal-35029753266953 (READ-ONLY COPY).

The authoritative reference and input builder live on the scoring server;
editing this copy changes nothing except your own understanding.
"""

import jax, jax.numpy as jnp
import numpy as np

N = 4096
B = 16384

def setup_inputs(seed: int = 0) -> dict:
    key = jax.random.key(seed)
    k1, k2, k3, k4 = jax.random.split(key, 4)
    inputs = jax.random.randint(k1, (B, 3), 0, N, dtype=jnp.int64 if jax.config.jax_enable_x64 else jnp.int32).astype(jnp.int32)
    # parameters (module initializes to zeros; use small random values to make the
    # computation non-degenerate while staying faithful to the math)
    w_A = jax.random.normal(k2, (N,), dtype=jnp.float32) * 0.05
    w_B_A = jax.random.normal(k3, (N, N), dtype=jnp.float32) * 0.05
    w_C_B = jax.random.normal(k4, (N, N), dtype=jnp.float32) * 0.05
    return {"inputs": inputs, "w_A": w_A, "w_B_A": w_B_A, "w_C_B": w_C_B}


def reference(inputs, w_A, w_B_A, w_C_B):
    # split inputs into A, B, C columns (torch.split(inputs, 1, dim=1) then squeeze)
    a = inputs[:, 0]
    b = inputs[:, 1]
    c = inputs[:, 2]

    # Marginal p(A): w[a] - logsumexp(w)
    cste_A = jax.nn.logsumexp(w_A, axis=0)
    logp_A = w_A[a] - cste_A

    # Conditional p(B|A): w[a, b] - logsumexp(w[a], dim=1)
    rows_BA = jnp.take(w_B_A, a, axis=0)            # [B, N] gather
    cste_BA = jax.nn.logsumexp(rows_BA, axis=1)     # [B]
    logp_B_A = w_B_A[a, b] - cste_BA

    # Conditional p(C|B): w[b, c] - logsumexp(w[b], dim=1)
    rows_CB = jnp.take(w_C_B, b, axis=0)            # [B, N] gather
    cste_CB = jax.nn.logsumexp(rows_CB, axis=1)     # [B]
    logp_C_B = w_C_B[b, c] - cste_CB

    return logp_A + logp_B_A + logp_C_B

if __name__ == "__main__":
    import jax
    _d = setup_inputs()
    print(jax.jit(kernel)(*tuple(_d.values())))

</pallas_src>

<mosaic_0001>
#map = affine_map<(d0, d1) -> (0)>
#map1 = affine_map<(d0, d1) -> (0, 0, 0, 0)>
module attributes {stable_mosaic.version = 14 : i64} {
  func.func @_sc_gather_body(%arg0: i32, %arg1: i32, %arg2: memref<4096xf32, #tpu.memory_space<hbm>>, %arg3: memref<4096xf32, #tpu.memory_space<hbm>>, %arg4: memref<16777216xf32, #tpu.memory_space<hbm>>, %arg5: memref<16777216xf32, #tpu.memory_space<hbm>>, %arg6: memref<32x4x4x128xi32, #tpu.memory_space<hbm>>, %arg7: memref<16384xf32, #tpu.memory_space<hbm>>, %arg8: memref<4x4x128xi32, #tpu.memory_space<vmem>>, %arg9: memref<4x512xf32, #tpu.memory_space<vmem>>, %arg10: memref<512xf32, #tpu.memory_space<vmem>>, %arg11: memref<!tpu.dma_semaphore, #tpu.memory_space<semaphore_mem>>) attributes {dimension_semantics = [#tpu.dimension_semantics<core_parallel>, #tpu.dimension_semantics<subcore_parallel>], iteration_bounds = array<i64: 2, 16>, scalar_prefetch = 0 : i64, scratch_operands = 4 : i64, tpu.core_type = #tpu.core_type<sc_vector_subcore>, window_params = [{transform_indices = #map}, {transform_indices = #map}, {transform_indices = #map}, {transform_indices = #map}, {transform_indices = #map1}, {transform_indices = #map}]} {
    %mul3A = arith.constant 2 : i32
    %mul3A_0 = arith.muli %arg1, %mul3A : i32
    %add3A = arith.addi %mul3A_0, %arg0 : i32
    %mul3A_1 = arith.constant 512 : i32
    %mul3A_2 = arith.muli %add3A, %mul3A_1 : i32
    "tpu.region"() ({
      %run_scoped3A = tpu.sem_alloc : memref<!tpu.dma_semaphore, #tpu.memory_space<semaphore_mem>>
      %dma_start3A_1215 = arith.constant 0 : i32
      %dma_start3A_1216 = arith.constant 0 : i32
      %dma_start3A_1217 = arith.constant 0 : i32
      %dma_start3A_1218 = tpu.memref_slice %arg6[%add3A, %dma_start3A_1215, %dma_start3A_1216, %dma_start3A_1217] : memref<32x4x4x128xi32, #tpu.memory_space<hbm>> -> memref<1x4x4x128xi32, #tpu.memory_space<hbm>>
      %dma_start3A_1219 = tpu.memref_squeeze %dma_start3A_1218 : memref<1x4x4x128xi32, #tpu.memory_space<hbm>> -> memref<4x4x128xi32, #tpu.memory_space<hbm>>
      %dma_start3A_1220 = arith.constant 0 : i32
      %dma_start3A_1221 = arith.constant 0 : i32
      %dma_start3A_1222 = arith.constant 0 : i32
      %dma_start3A_1223 = tpu.memref_slice %arg6[%add3A, %dma_start3A_1220, %dma_start3A_1221, %dma_start3A_1222] : memref<32x4x4x128xi32, #tpu.memory_space<hbm>> -> memref<1x4x4x128xi32, #tpu.memory_space<hbm>>
      %dma_start3A_1224 = tpu.memref_squeeze %dma_start3A_1223 : memref<1x4x4x128xi32, #tpu.memory_space<hbm>> -> memref<4x4x128xi32, #tpu.memory_space<hbm>>
      tpu.enqueue_dma source(%dma_start3A_1224 : memref<4x4x128xi32, #tpu.memory_space<hbm>>) target(%arg8 : memref<4x4x128xi32, #tpu.memory_space<vmem>>) target_semaphore(%run_scoped3A : memref<!tpu.dma_semaphore, #tpu.memory_space<semaphore_mem>>)
      %dma_wait3A_1225 = arith.constant 0 : i32
      %dma_wait3A_1226 = arith.constant 0 : i32
      %dma_wait3A_1227 = arith.constant 0 : i32
      %dma_wait3A_1228 = tpu.memref_slice %arg6[%add3A, %dma_wait3A_1225, %dma_wait3A_1226, %dma_wait3A_1227] : memref<32x4x4x128xi32, #tpu.memory_space<hbm>> -> memref<1x4x4x128xi32, #tpu.memory_space<hbm>>
      %dma_wait3A_1229 = tpu.memref_squeeze %dma_wait3A_1228 : memref<1x4x4x128xi32, #tpu.memory_space<hbm>> -> memref<4x4x128xi32, #tpu.memory_space<hbm>>
      %dma_wait3A_1230 = arith.constant 0 : i32
      %dma_wait3A_1231 = arith.constant 0 : i32
      %dma_wait3A_1232 = arith.constant 0 : i32
      %dma_wait3A_1233 = tpu.memref_slice %arg6[%add3A, %dma_wait3A_1230, %dma_wait3A_1231, %dma_wait3A_1232] : memref<32x4x4x128xi32, #tpu.memory_space<hbm>> -> memref<1x4x4x128xi32, #tpu.memory_space<hbm>>
      %dma_wait3A_1234 = tpu.memref_squeeze %dma_wait3A_1233 : memref<1x4x4x128xi32, #tpu.memory_space<hbm>> -> memref<4x4x128xi32, #tpu.memory_space<hbm>>
      tpu.wait_dma2 semaphore(%run_scoped3A : memref<!tpu.dma_semaphore, #tpu.memory_space<semaphore_mem>>) src(%dma_wait3A_1234 : memref<4x4x128xi32, #tpu.memory_space<hbm>>) dst(%arg8 : memref<4x4x128xi32, #tpu.memory_space<vmem>>)
      tpu.yield
    }) : () -> ()
    %dma_start3A = arith.constant 0 : i32
    %dma_start3A_3 = arith.constant 0 : i32
    %dma_start3A_4 = arith.constant 0 : i32
    %dma_start3A_5 = arith.constant 0 : i32
    %dma_start3A_6 = tpu.memref_slice %arg9[%dma_start3A_4, %dma_start3A_5] : memref<4x512xf32, #tpu.memory_space<vmem>> -> memref<1x128xf32, #tpu.memory_space<vmem>>
    %dma_start3A_7 = tpu.memref_squeeze %dma_start3A_6 : memref<1x128xf32, #tpu.memory_space<vmem>> -> memref<128xf32, #tpu.memory_space<vmem>>
    %dma_start3A_8 = arith.constant 0 : i32
    %dma_start3A_9 = tpu.memref_slice %arg8[%dma_start3A, %dma_start3A_3, %dma_start3A_8] : memref<4x4x128xi32, #tpu.memory_space<vmem>> -> memref<1x1x128xi32, #tpu.memory_space<vmem>>
    %dma_start3A_10 = tpu.memref_squeeze %dma_start3A_9 : memref<1x1x128xi32, #tpu.memory_space<vmem>> -> memref<128xi32, #tpu.memory_space<vmem>>
    %dma_start3A_11 = arith.constant 0 : i32
    %dma_start3A_12 = tpu.memref_slice %arg2[%dma_start3A_11] : memref<4096xf32, #tpu.memory_space<hbm>> -> memref<4096xf32, #tpu.memory_space<hbm>>
    tpu.enqueue_indirect_dma source(%dma_start3A_12 : memref<4096xf32, #tpu.memory_space<hbm>>) target(%dma_start3A_7 : memref<128xf32, #tpu.memory_space<vmem>>) offsets(%dma_start3A_10 : memref<128xi32, #tpu.memory_space<vmem>>) semaphore(%arg11 : memref<!tpu.dma_semaphore, #tpu.memory_space<semaphore_mem>>)
    %dma_start3A_13 = arith.constant 0 : i32
    %dma_start3A_14 = arith.constant 1 : i32
    %dma_start3A_15 = arith.constant 0 : i32
    %dma_start3A_16 = arith.constant 128 : i32
    %dma_start3A_17 = tpu.memref_slice %arg9[%dma_start3A_15, %dma_start3A_16] : memref<4x512xf32, #tpu.memory_space<vmem>> -> memref<1x128xf32, #tpu.memory_space<vmem>>
    %dma_start3A_18 = tpu.memref_squeeze %dma_start3A_17 : memref<1x128xf32, #tpu.memory_space<vmem>> -> memref<128xf32, #tpu.memory_space<vmem>>
    %dma_start3A_19 = arith.constant 0 : i32
    %dma_start3A_20 = tpu.memref_slice %arg8[%dma_start3A_13, %dma_start3A_14, %dma_start3A_19] : memref<4x4x128xi32, #tpu.memory_space<vmem>> -> memref<1x1x128xi32, #tpu.memory_space<vmem>>
    %dma_start3A_21 = tpu.memref_squeeze %dma_start3A_20 : memref<1x1x128xi32, #tpu.memory_space<vmem>> -> memref<128xi32, #tpu.memory_space<vmem>>
    %dma_start3A_22 = arith.constant 0 : i32
    %dma_start3A_23 = tpu.memref_slice %arg2[%dma_start3A_22] : memref<4096xf32, #tpu.memory_space<hbm>> -> memref<4096xf32, #tpu.memory_space<hbm>>
    tpu.enqueue_indirect_dma source(%dma_start3A_23 : memref<4096xf32, #tpu.memory_space<hbm>>) target(%dma_start3A_18 : memref<128xf32, #tpu.memory_space<vmem>>) offsets(%dma_start3A_21 : memref<128xi32, #tpu.memory_space<vmem>>) semaphore(%arg11 : memref<!tpu.dma_semaphore, #tpu.memory_space<semaphore_mem>>)
    %dma_start3A_24 = arith.constant 0 : i32
    %dma_start3A_25 = arith.constant 2 : i32
    %dma_start3A_26 = arith.constant 0 : i32
    %dma_start3A_27 = arith.constant 256 : i32
    %dma_start3A_28 = tpu.memref_slice %arg9[%dma_start3A_26, %dma_start3A_27] : memref<4x512xf32, #tpu.memory_space<vmem>> -> memref<1x128xf32, #tpu.memory_space<vmem>>
    %dma_start3A_29 = tpu.memref_squeeze %dma_start3A_28 : memref<1x128xf32, #tpu.memory_space<vmem>> -> memref<128xf32, #tpu.memory_space<vmem>>
    %dma_start3A_30 = arith.constant 0 : i32
    %dma_start3A_31 = tpu.memref_slice %arg8[%dma_start3A_24, %dma_start3A_25, %dma_start3A_30] : memref<4x4x128xi32, #tpu.memory_space<vmem>> -> memref<1x1x128xi32, #tpu.memory_space<vmem>>
    %dma_start3A_32 = tpu.memref_squeeze %dma_start3A_31 : memref<1x1x128xi32, #tpu.memory_space<vmem>> -> memref<128xi32, #tpu.memory_space<vmem>>
    %dma_start3A_33 = arith.constant 0 : i32
    %dma_start3A_34 = tpu.memref_slice %arg2[%dma_start3A_33] : memref<4096xf32, #tpu.memory_space<hbm>> -> memref<4096xf32, #tpu.memory_space<hbm>>
    tpu.enqueue_indirect_dma source(%dma_start3A_34 : memref<4096xf32, #tpu.memory_space<hbm>>) target(%dma_start3A_29 : memref<128xf32, #tpu.memory_space<vmem>>) offsets(%dma_start3A_32 : memref<128xi32, #tpu.memory_space<vmem>>) semaphore(%arg11 : memref<!tpu.dma_semaphore, #tpu.memory_space<semaphore_mem>>)
    %dma_start3A_35 = arith.constant 0 : i32
    %dma_start3A_36 = arith.constant 3 : i32
    %dma_start3A_37 = arith.constant 0 : i32
    %dma_start3A_38 = arith.constant 384 : i32
    %dma_start3A_39 = tpu.memref_slice %arg9[%dma_start3A_37, %dma_start3A_38] : memref<4x512xf32, #tpu.memory_space<vmem>> -> memref<1x128xf32, #tpu.memory_space<vmem>>
    %dma_start3A_40 = tpu.memref_squeeze %dma_start3A_39 : memref<1x128xf32, #tpu.memory_space<vmem>> -> memref<128xf32, #tpu.memory_space<vmem>>
    %dma_start3A_41 = arith.constant 0 : i32
    %dma_start3A_42 = tpu.memref_slice %arg8[%dma_start3A_35, %dma_start3A_36, %dma_start3A_41] : memref<4x4x128xi32, #tpu.memory_space<vmem>> -> memref<1x1x128xi32, #tpu.memory_space<vmem>>
    %dma_start3A_43 = tpu.memref_squeeze %dma_start3A_42 : memref<1x1x128xi32, #tpu.memory_space<vmem>> -> memref<128xi32, #tpu.memory_space<vmem>>
    %dma_start3A_44 = arith.constant 0 : i32
    %dma_start3A_45 = tpu.memref_slice %arg2[%dma_start3A_44] : memref<4096xf32, #tpu.memory_space<hbm>> -> memref<4096xf32, #tpu.memory_space<hbm>>
    tpu.enqueue_indirect_dma source(%dma_start3A_45 : memref<4096xf32, #tpu.memory_space<hbm>>) target(%dma_start3A_40 : memref<128xf32, #tpu.memory_space<vmem>>) offsets(%dma_start3A_43 : memref<128xi32, #tpu.memory_space<vmem>>) semaphore(%arg11 : memref<!tpu.dma_semaphore, #tpu.memory_space<semaphore_mem>>)
    %dma_start3A_46 = arith.constant 1 : i32
    %dma_start3A_47 = arith.constant 0 : i32
    %dma_start3A_48 = arith.constant 1 : i32
    %dma_start3A_49 = arith.constant 0 : i32
    %dma_start3A_50 = tpu.memref_slice %arg9[%dma_start3A_48, %dma_start3A_49] : memref<4x512xf32, #tpu.memory_space<vmem>> -> memref<1x128xf32, #tpu.memory_space<vmem>>
    %dma_start3A_51 = tpu.memref_squeeze %dma_start3A_50 : memref<1x128xf32, #tpu.memory_space<vmem>> -> memref<128xf32, #tpu.memory_space<vmem>>
    %dma_start3A_52 = arith.constant 0 : i32
    %dma_start3A_53 = tpu.memref_slice %arg8[%dma_start3A_46, %dma_start3A_47, %dma_start3A_52] : memref<4x4x128xi32, #tpu.memory_space<vmem>> -> memref<1x1x128xi32, #tpu.memory_space<vmem>>
    %dma_start3A_54 = tpu.memref_squeeze %dma_start3A_53 : memref<1x1x128xi32, #tpu.memory_space<vmem>> -> memref<128xi32, #tpu.memory_space<vmem>>
    %dma_start3A_55 = arith.constant 0 : i32
    %dma_start3A_56 = tpu.memref_slice %arg3[%dma_start3A_55] : memref<4096xf32, #tpu.memory_space<hbm>> -> memref<4096xf32, #tpu.memory_space<hbm>>
    tpu.enqueue_indirect_dma source(%dma_start3A_56 : memref<4096xf32, #tpu.memory_space<hbm>>) target(%dma_start3A_51 : memref<128xf32, #tpu.memory_space<vmem>>) offsets(%dma_start3A_54 : memref<128xi32, #tpu.memory_space<vmem>>) semaphore(%arg11 : memref<!tpu.dma_semaphore, #tpu.memory_space<semaphore_mem>>)
    %dma_start3A_57 = arith.constant 1 : i32
    %dma_start3A_58 = arith.constant 1 : i32
    %dma_start3A_59 = arith.constant 1 : i32
    %dma_start3A_60 = arith.constant 128 : i32
    %dma_start3A_61 = tpu.memref_slice %arg9[%dma_start3A_59, %dma_start3A_60] : memref<4x512xf32, #tpu.memory_space<vmem>> -> memref<1x128xf32, #tpu.memory_space<vmem>>
    %dma_start3A_62 = tpu.memref_squeeze %dma_start3A_61 : memref<1x128xf32, #tpu.memory_space<vmem>> -> memref<128xf32, #tpu.memory_space<vmem>>
    %dma_start3A_63 = arith.constant 0 : i32
    %dma_start3A_64 = tpu.memref_slice %arg8[%dma_start3A_57, %dma_start3A_58, %dma_start3A_63] : memref<4x4x128xi32, #tpu.memory_space<vmem>> -> memref<1x1x128xi32, #tpu.memory_space<vmem>>
    %dma_start3A_65 = tpu.memref_squeeze %dma_start3A_64 : memref<1x1x128xi32, #tpu.memory_space<vmem>> -> memref<128xi32, #tpu.memory_space<vmem>>
    %dma_start3A_66 = arith.constant 0 : i32
    %dma_start3A_67 = tpu.memref_slice %arg3[%dma_start3A_66] : memref<4096xf32, #tpu.memory_space<hbm>> -> memref<4096xf32, #tpu.memory_space<hbm>>
    tpu.enqueue_indirect_dma source(%dma_start3A_67 : memref<4096xf32, #tpu.memory_space<hbm>>) target(%dma_start3A_62 : memref<128xf32, #tpu.memory_space<vmem>>) offsets(%dma_start3A_65 : memref<128xi32, #tpu.memory_space<vmem>>) semaphore(%arg11 : memref<!tpu.dma_semaphore, #tpu.memory_space<semaphore_mem>>)
    %dma_start3A_68 = arith.constant 1 : i32
    %dma_start3A_69 = arith.constant 2 : i32
    %dma_start3A_70 = arith.constant 1 : i32
    %dma_start3A_71 = arith.constant 256 : i32
    %dma_start3A_72 = tpu.memref_slice %arg9[%dma_start3A_70, %dma_start3A_71] : memref<4x512xf32, #tpu.memory_space<vmem>> -> memref<1x128xf32, #tpu.memory_space<vmem>>
    %dma_start3A_73 = tpu.memref_squeeze %dma_start3A_72 : memref<1x128xf32, #tpu.memory_space<vmem>> -> memref<128xf32, #tpu.memory_space<vmem>>
    %dma_start3A_74 = arith.constant 0 : i32
    %dma_start3A_75 = tpu.memref_slice %arg8[%dma_start3A_68, %dma_start3A_69, %dma_start3A_74] : memref<4x4x128xi32, #tpu.memory_space<vmem>> -> memref<1x1x128xi32, #tpu.memory_space<vmem>>
    %dma_start3A_76 = tpu.memref_squeeze %dma_start3A_75 : memref<1x1x128xi32, #tpu.memory_space<vmem>> -> memref<128xi32, #tpu.memory_space<vmem>>
    %dma_start3A_77 = arith.constant 0 : i32
    %dma_start3A_78 = tpu.memref_slice %arg3[%dma_start3A_77] : memref<4096xf32, #tpu.memory_space<hbm>> -> memref<4096xf32, #tpu.memory_space<hbm>>
    tpu.enqueue_indirect_dma source(%dma_start3A_78 : memref<4096xf32, #tpu.memory_space<hbm>>) target(%dma_start3A_73 : memref<128xf32, #tpu.memory_space<vmem>>) offsets(%dma_start3A_76 : memref<128xi32, #tpu.memory_space<vmem>>) semaphore(%arg11 : memref<!tpu.dma_semaphore, #tpu.memory_space<semaphore_mem>>)
    %dma_start3A_79 = arith.constant 1 : i32
    %dma_start3A_80 = arith.constant 3 : i32
    %dma_start3A_81 = arith.constant 1 : i32
    %dma_start3A_82 = arith.constant 384 : i32
    %dma_start3A_83 = tpu.memref_slice %arg9[%dma_start3A_81, %dma_start3A_82] : memref<4x512xf32, #tpu.memory_space<vmem>> -> memref<1x128xf32, #tpu.memory_space<vmem>>
    %dma_start3A_84 = tpu.memref_squeeze %dma_start3A_83 : memref<1x128xf32, #tpu.memory_space<vmem>> -> memref<128xf32, #tpu.memory_space<vmem>>
    %dma_start3A_85 = arith.constant 0 : i32
    %dma_start3A_86 = tpu.memref_slice %arg8[%dma_start3A_79, %dma_start3A_80, %dma_start3A_85] : memref<4x4x128xi32, #tpu.memory_space<vmem>> -> memref<1x1x128xi32, #tpu.memory_space<vmem>>
    %dma_start3A_87 = tpu.memref_squeeze %dma_start3A_86 : memref<1x1x128xi32, #tpu.memory_space<vmem>> -> memref<128xi32, #tpu.memory_space<vmem>>
    %dma_start3A_88 = arith.constant 0 : i32
    %dma_start3A_89 = tpu.memref_slice %arg3[%dma_start3A_88] : memref<4096xf32, #tpu.memory_space<hbm>> -> memref<4096xf32, #tpu.memory_space<hbm>>
    tpu.enqueue_indirect_dma source(%dma_start3A_89 : memref<4096xf32, #tpu.memory_space<hbm>>) target(%dma_start3A_84 : memref<128xf32, #tpu.memory_space<vmem>>) offsets(%dma_start3A_87 : memref<128xi32, #tpu.memory_space<vmem>>) semaphore(%arg11 : memref<!tpu.dma_semaphore, #tpu.memory_space<semaphore_mem>>)
    %dma_start3A_90 = arith.constant 2 : i32
    %dma_start3A_91 = arith.constant 0 : i32
    %dma_start3A_92 = arith.constant 2 : i32
    %dma_start3A_93 = arith.constant 0 : i32
    %dma_start3A_94 = tpu.memref_slice %arg9[%dma_start3A_92, %dma_start3A_93] : memref<4x512xf32, #tpu.memory_space<vmem>> -> memref<1x128xf32, #tpu.memory_space<vmem>>
    %dma_start3A_95 = tpu.memref_squeeze %dma_start3A_94 : memref<1x128xf32, #tpu.memory_space<vmem>> -> memref<128xf32, #tpu.memory_space<vmem>>
    %dma_start3A_96 = arith.constant 0 : i32
    %dma_start3A_97 = tpu.memref_slice %arg8[%dma_start3A_90, %dma_start3A_91, %dma_start3A_96] : memref<4x4x128xi32, #tpu.memory_space<vmem>> -> memref<1x1x128xi32, #tpu.memory_space<vmem>>
    %dma_start3A_98 = tpu.memref_squeeze %dma_start3A_97 : memref<1x1x128xi32, #tpu.memory_space<vmem>> -> memref<128xi32, #tpu.memory_space<vmem>>
    %dma_start3A_99 = arith.constant 0 : i32
    %dma_start3A_100 = tpu.memref_slice %arg4[%dma_start3A_99] : memref<16777216xf32, #tpu.memory_space<hbm>> -> memref<16777216xf32, #tpu.memory_space<hbm>>
    tpu.enqueue_indirect_dma source(%dma_start3A_100 : memref<16777216xf32, #tpu.memory_space<hbm>>) target(%dma_start3A_95 : memref<128xf32, #tpu.memory_space<vmem>>) offsets(%dma_start3A_98 : memref<128xi32, #tpu.memory_space<vmem>>) semaphore(%arg11 : memref<!tpu.dma_semaphore, #tpu.memory_space<semaphore_mem>>)
    %dma_start3A_101 = arith.constant 2 : i32
    %dma_start3A_102 = arith.constant 1 : i32
    %dma_start3A_103 = arith.constant 2 : i32
    %dma_start3A_104 = arith.constant 128 : i32
    %dma_start3A_105 = tpu.memref_slice %arg9[%dma_start3A_103, %dma_start3A_104] : memref<4x512xf32, #tpu.memory_space<vmem>> -> memref<1x128xf32, #tpu.memory_space<vmem>>
    %dma_start3A_106 = tpu.memref_squeeze %dma_start3A_105 : memref<1x128xf32, #tpu.memory_space<vmem>> -> memref<128xf32, #tpu.memory_space<vmem>>
    %dma_start3A_107 = arith.constant 0 : i32
    %dma_start3A_108 = tpu.memref_slice %arg8[%dma_start3A_101, %dma_start3A_102, %dma_start3A_107] : memref<4x4x128xi32, #tpu.memory_space<vmem>> -> memref<1x1x128xi32, #tpu.memory_space<vmem>>
    %dma_start3A_109 = tpu.memref_squeeze %dma_start3A_108 : memref<1x1x128xi32, #tpu.memory_space<vmem>> -> memref<128xi32, #tpu.memory_space<vmem>>
    %dma_start3A_110 = arith.constant 0 : i32
    %dma_start3A_111 = tpu.memref_slice %arg4[%dma_start3A_110] : memref<16777216xf32, #tpu.memory_space<hbm>> -> memref<16777216xf32, #tpu.memory_space<hbm>>
    tpu.enqueue_indirect_dma source(%dma_start3A_111 : memref<16777216xf32, #tpu.memory_space<hbm>>) target(%dma_start3A_106 : memref<128xf32, #tpu.memory_space<vmem>>) offsets(%dma_start3A_109 : memref<128xi32, #tpu.memory_space<vmem>>) semaphore(%arg11 : memref<!tpu.dma_semaphore, #tpu.memory_space<semaphore_mem>>)
    %dma_start3A_112 = arith.constant 2 : i32
    %dma_start3A_113 = arith.constant 2 : i32
    %dma_start3A_114 = arith.constant 2 : i32
    %dma_start3A_115 = arith.constant 256 : i32
    %dma_start3A_116 = tpu.memref_slice %arg9[%dma_start3A_114, %dma_start3A_115] : memref<4x512xf32, #tpu.memory_space<vmem>> -> memref<1x128xf32, #tpu.memory_space<vmem>>
    %dma_start3A_117 = tpu.memref_squeeze %dma_start3A_116 : memref<1x128xf32, #tpu.memory_space<vmem>> -> memref<128xf32, #tpu.memory_space<vmem>>
    %dma_start3A_118 = arith.constant 0 : i32
    %dma_start3A_119 = tpu.memref_slice %arg8[%dma_start3A_112, %dma_start3A_113, %dma_start3A_118] : memref<4x4x128xi32, #tpu.memory_space<vmem>> -> memref<1x1x128xi32, #tpu.memory_space<vmem>>
    %dma_start3A_120 = tpu.memref_squeeze %dma_start3A_119 : memref<1x1x128xi32, #tpu.memory_space<vmem>> -> memref<128xi32, #tpu.memory_space<vmem>>
    %dma_start3A_121 = arith.constant 0 : i32
    %dma_start3A_122 = tpu.memref_slice %arg4[%dma_start3A_121] : memref<16777216xf32, #tpu.memory_space<hbm>> -> memref<16777216xf32, #tpu.memory_space<hbm>>
    tpu.enqueue_indirect_dma source(%dma_start3A_122 : memref<16777216xf32, #tpu.memory_space<hbm>>) target(%dma_start3A_117 : memref<128xf32, #tpu.memory_space<vmem>>) offsets(%dma_start3A_120 : memref<128xi32, #tpu.memory_space<vmem>>) semaphore(%arg11 : memref<!tpu.dma_semaphore, #tpu.memory_space<semaphore_mem>>)
    %dma_start3A_123 = arith.constant 2 : i32
    %dma_start3A_124 = arith.constant 3 : i32
    %dma_start3A_125 = arith.constant 2 : i32
    %dma_start3A_126 = arith.constant 384 : i32
    %dma_start3A_127 = tpu.memref_slice %arg9[%dma_start3A_125, %dma_start3A_126] : memref<4x512xf32, #tpu.memory_space<vmem>> -> memref<1x128xf32, #tpu.memory_space<vmem>>
    %dma_start3A_128 = tpu.memref_squeeze %dma_start3A_127 : memref<1x128xf32, #tpu.memory_space<vmem>> -> memref<128xf32, #tpu.memory_space<vmem>>
    %dma_start3A_129 = arith.constant 0 : i32
    %dma_start3A_130 = tpu.memref_slice %arg8[%dma_start3A_123, %dma_start3A_124, %dma_start3A_129] : memref<4x4x128xi32, #tpu.memory_space<vmem>> -> memref<1x1x128xi32, #tpu.memory_space<vmem>>
    %dma_start3A_131 = tpu.memref_squeeze %dma_start3A_130 : memref<1x1x128xi32, #tpu.memory_space<vmem>> -> memref<128xi32, #tpu.memory_space<vmem>>
    %dma_start3A_132 = arith.constant 0 : i32
    %dma_start3A_133 = tpu.memref_slice %arg4[%dma_start3A_132] : memref<16777216xf32, #tpu.memory_space<hbm>> -> memref<16777216xf32, #tpu.memory_space<hbm>>
    tpu.enqueue_indirect_dma source(%dma_start3A_133 : memref<16777216xf32, #tpu.memory_space<hbm>>) target(%dma_start3A_128 : memref<128xf32, #tpu.memory_space<vmem>>) offsets(%dma_start3A_131 : memref<128xi32, #tpu.memory_space<vmem>>) semaphore(%arg11 : memref<!tpu.dma_semaphore, #tpu.memory_space<semaphore_mem>>)
    %dma_start3A_134 = arith.constant 3 : i32
    %dma_start3A_135 = arith.constant 0 : i32
    %dma_start3A_136 = arith.constant 3 : i32
    %dma_start3A_137 = arith.constant 0 : i32
    %dma_start3A_138 = tpu.memref_slice %arg9[%dma_start3A_136, %dma_start3A_137] : memref<4x512xf32, #tpu.memory_space<vmem>> -> memref<1x128xf32, #tpu.memory_space<vmem>>
    %dma_start3A_139 = tpu.memref_squeeze %dma_start3A_138 : memref<1x128xf32, #tpu.memory_space<vmem>> -> memref<128xf32, #tpu.memory_space<vmem>>
    %dma_start3A_140 = arith.constant 0 : i32
    %dma_start3A_141 = tpu.memref_slice %arg8[%dma_start3A_134, %dma_start3A_135, %dma_start3A_140] : memref<4x4x128xi32, #tpu.memory_space<vmem>> -> memref<1x1x128xi32, #tpu.memory_space<vmem>>
    %dma_start3A_142 = tpu.memref_squeeze %dma_start3A_141 : memref<1x1x128xi32, #tpu.memory_space<vmem>> -> memref<128xi32, #tpu.memory_space<vmem>>
    %dma_start3A_143 = arith.constant 0 : i32
    %dma_start3A_144 = tpu.memref_slice %arg5[%dma_start3A_143] : memref<16777216xf32, #tpu.memory_space<hbm>> -> memref<16777216xf32, #tpu.memory_space<hbm>>
    tpu.enqueue_indirect_dma source(%dma_start3A_144 : memref<16777216xf32, #tpu.memory_space<hbm>>) target(%dma_start3A_139 : memref<128xf32, #tpu.memory_space<vmem>>) offsets(%dma_start3A_142 : memref<128xi32, #tpu.memory_space<vmem>>) semaphore(%arg11 : memref<!tpu.dma_semaphore, #tpu.memory_space<semaphore_mem>>)
    %dma_start3A_145 = arith.constant 3 : i32
    %dma_start3A_146 = arith.constant 1 : i32
    %dma_start3A_147 = arith.constant 3 : i32
    %dma_start3A_148 = arith.constant 128 : i32
    %dma_start3A_149 = tpu.memref_slice %arg9[%dma_start3A_147, %dma_start3A_148] : memref<4x512xf32, #tpu.memory_space<vmem>> -> memref<1x128xf32, #tpu.memory_space<vmem>>
    %dma_start3A_150 = tpu.memref_squeeze %dma_start3A_149 : memref<1x128xf32, #tpu.memory_space<vmem>> -> memref<128xf32, #tpu.memory_space<vmem>>
    %dma_start3A_151 = arith.constant 0 : i32
    %dma_start3A_152 = tpu.memref_slice %arg8[%dma_start3A_145, %dma_start3A_146, %dma_start3A_151] : memref<4x4x128xi32, #tpu.memory_space<vmem>> -> memref<1x1x128xi32, #tpu.memory_space<vmem>>
    %dma_start3A_153 = tpu.memref_squeeze %dma_start3A_152 : memref<1x1x128xi32, #tpu.memory_space<vmem>> -> memref<128xi32, #tpu.memory_space<vmem>>
    %dma_start3A_154 = arith.constant 0 : i32
    %dma_start3A_155 = tpu.memref_slice %arg5[%dma_start3A_154] : memref<16777216xf32, #tpu.memory_space<hbm>> -> memref<16777216xf32, #tpu.memory_space<hbm>>
    tpu.enqueue_indirect_dma source(%dma_start3A_155 : memref<16777216xf32, #tpu.memory_space<hbm>>) target(%dma_start3A_150 : memref<128xf32, #tpu.memory_space<vmem>>) offsets(%dma_start3A_153 : memref<128xi32, #tpu.memory_space<vmem>>) semaphore(%arg11 : memref<!tpu.dma_semaphore, #tpu.memory_space<semaphore_mem>>)
    %dma_start3A_156 = arith.constant 3 : i32
    %dma_start3A_157 = arith.constant 2 : i32
    %dma_start3A_158 = arith.constant 3 : i32
    %dma_start3A_159 = arith.constant 256 : i32
    %dma_start3A_160 = tpu.memref_slice %arg9[%dma_start3A_158, %dma_start3A_159] : memref<4x512xf32, #tpu.memory_space<vmem>> -> memref<1x128xf32, #tpu.memory_space<vmem>>
    %dma_start3A_161 = tpu.memref_squeeze %dma_start3A_160 : memref<1x128xf32, #tpu.memory_space<vmem>> -> memref<128xf32, #tpu.memory_space<vmem>>
    %dma_start3A_162 = arith.constant 0 : i32
    %dma_start3A_163 = tpu.memref_slice %arg8[%dma_start3A_156, %dma_start3A_157, %dma_start3A_162] : memref<4x4x128xi32, #tpu.memory_space<vmem>> -> memref<1x1x128xi32, #tpu.memory_space<vmem>>
    %dma_start3A_164 = tpu.memref_squeeze %dma_start3A_163 : memref<1x1x128xi32, #tpu.memory_space<vmem>> -> memref<128xi32, #tpu.memory_space<vmem>>
    %dma_start3A_165 = arith.constant 0 : i32
    %dma_start3A_166 = tpu.memref_slice %arg5[%dma_start3A_165] : memref<16777216xf32, #tpu.memory_space<hbm>> -> memref<16777216xf32, #tpu.memory_space<hbm>>
    tpu.enqueue_indirect_dma source(%dma_start3A_166 : memref<16777216xf32, #tpu.memory_space<hbm>>) target(%dma_start3A_161 : memref<128xf32, #tpu.memory_space<vmem>>) offsets(%dma_start3A_164 : memref<128xi32, #tpu.memory_space<vmem>>) semaphore(%arg11 : memref<!tpu.dma_semaphore, #tpu.memory_space<semaphore_mem>>)
    %dma_start3A_167 = arith.constant 3 : i32
    %dma_start3A_168 = arith.constant 3 : i32
    %dma_start3A_169 = arith.constant 3 : i32
    %dma_start3A_170 = arith.constant 384 : i32
    %dma_start3A_171 = tpu.memref_slice %arg9[%dma_start3A_169, %dma_start3A_170] : memref<4x512xf32, #tpu.memory_space<vmem>> -> memref<1x128xf32, #tpu.memory_space<vmem>>
    %dma_start3A_172 = tpu.memref_squeeze %dma_start3A_171 : memref<1x128xf32, #tpu.memory_space<vmem>> -> memref<128xf32, #tpu.memory_space<vmem>>
    %dma_start3A_173 = arith.constant 0 : i32
    %dma_start3A_174 = tpu.memref_slice %arg8[%dma_start3A_167, %dma_start3A_168, %dma_start3A_173] : memref<4x4x128xi32, #tpu.memory_space<vmem>> -> memref<1x1x128xi32, #tpu.memory_space<vmem>>
    %dma_start3A_175 = tpu.memref_squeeze %dma_start3A_174 : memref<1x1x128xi32, #tpu.memory_space<vmem>> -> memref<128xi32, #tpu.memory_space<vmem>>
    %dma_start3A_176 = arith.constant 0 : i32
    %dma_start3A_177 = tpu.memref_slice %arg5[%dma_start3A_176] : memref<16777216xf32, #tpu.memory_space<hbm>> -> memref<16777216xf32, #tpu.memory_space<hbm>>
    tpu.enqueue_indirect_dma source(%dma_start3A_177 : memref<16777216xf32, #tpu.memory_space<hbm>>) target(%dma_start3A_172 : memref<128xf32, #tpu.memory_space<vmem>>) offsets(%dma_start3A_175 : memref<128xi32, #tpu.memory_space<vmem>>) semaphore(%arg11 : memref<!tpu.dma_semaphore, #tpu.memory_space<semaphore_mem>>)
    %dma_wait3A = arith.constant 0 : i32
    %dma_wait3A_178 = arith.constant 0 : i32
    %dma_wait3A_179 = arith.constant 0 : i32
    %dma_wait3A_180 = arith.constant 0 : i32
    %dma_wait3A_181 = tpu.memref_slice %arg9[%dma_wait3A_179, %dma_wait3A_180] : memref<4x512xf32, #tpu.memory_space<vmem>> -> memref<1x128xf32, #tpu.memory_space<vmem>>
    %dma_wait3A_182 = tpu.memref_squeeze %dma_wait3A_181 : memref<1x128xf32, #tpu.memory_space<vmem>> -> memref<128xf32, #tpu.memory_space<vmem>>
    %dma_wait3A_183 = arith.constant 0 : i32
    %dma_wait3A_184 = tpu.memref_slice %arg8[%dma_wait3A, %dma_wait3A_178, %dma_wait3A_183] : memref<4x4x128xi32, #tpu.memory_space<vmem>> -> memref<1x1x128xi32, #tpu.memory_space<vmem>>
    %dma_wait3A_185 = tpu.memref_squeeze %dma_wait3A_184 : memref<1x1x128xi32, #tpu.memory_space<vmem>> -> memref<128xi32, #tpu.memory_space<vmem>>
    %dma_wait3A_186 = arith.constant 0 : i32
    %dma_wait3A_187 = tpu.memref_slice %arg2[%dma_wait3A_186] : memref<4096xf32, #tpu.memory_space<hbm>> -> memref<4096xf32, #tpu.memory_space<hbm>>
    tpu.wait_indirect_dma semaphore(%arg11 : memref<!tpu.dma_semaphore, #tpu.memory_space<semaphore_mem>>) src(%dma_wait3A_187 : memref<4096xf32, #tpu.memory_space<hbm>>) dst(%dma_wait3A_182 : memref<128xf32, #tpu.memory_space<vmem>>)
    %dma_wait3A_188 = arith.constant 0 : i32
    %dma_wait3A_189 = arith.constant 1 : i32
    %dma_wait3A_190 = arith.constant 0 : i32
    %dma_wait3A_191 = arith.constant 128 : i32
    %dma_wait3A_192 = tpu.memref_slice %arg9[%dma_wait3A_190, %dma_wait3A_191] : memref<4x512xf32, #tpu.memory_space<vmem>> -> memref<1x128xf32, #tpu.memory_space<vmem>>
    %dma_wait3A_193 = tpu.memref_squeeze %dma_wait3A_192 : memref<1x128xf32, #tpu.memory_space<vmem>> -> memref<128xf32, #tpu.memory_space<vmem>>
    %dma_wait3A_194 = arith.constant 0 : i32
    %dma_wait3A_195 = tpu.memref_slice %arg8[%dma_wait3A_188, %dma_wait3A_189, %dma_wait3A_194] : memref<4x4x128xi32, #tpu.memory_space<vmem>> -> memref<1x1x128xi32, #tpu.memory_space<vmem>>
    %dma_wait3A_196 = tpu.memref_squeeze %dma_wait3A_195 : memref<1x1x128xi32, #tpu.memory_space<vmem>> -> memref<128xi32, #tpu.memory_space<vmem>>
    %dma_wait3A_197 = arith.constant 0 : i32
    %dma_wait3A_198 = tpu.memref_slice %arg2[%dma_wait3A_197] : memref<4096xf32, #tpu.memory_space<hbm>> -> memref<4096xf32, #tpu.memory_space<hbm>>
    tpu.wait_indirect_dma semaphore(%arg11 : memref<!tpu.dma_semaphore, #tpu.memory_space<semaphore_mem>>) src(%dma_wait3A_198 : memref<4096xf32, #tpu.memory_space<hbm>>) dst(%dma_wait3A_193 : memref<128xf32, #tpu.memory_space<vmem>>)
    %dma_wait3A_199 = arith.constant 0 : i32
    %dma_wait3A_200 = arith.constant 2 : i32
    %dma_wait3A_201 = arith.constant 0 : i32
    %dma_wait3A_202 = arith.constant 256 : i32
    %dma_wait3A_203 = tpu.memref_slice %arg9[%dma_wait3A_201, %dma_wait3A_202] : memref<4x512xf32, #tpu.memory_space<vmem>> -> memref<1x128xf32, #tpu.memory_space<vmem>>
    %dma_wait3A_204 = tpu.memref_squeeze %dma_wait3A_203 : memref<1x128xf32, #tpu.memory_space<vmem>> -> memref<128xf32, #tpu.memory_space<vmem>>
    %dma_wait3A_205 = arith.constant 0 : i32
    %dma_wait3A_206 = tpu.memref_slice %arg8[%dma_wait3A_199, %dma_wait3A_200, %dma_wait3A_205] : memref<4x4x128xi32, #tpu.memory_space<vmem>> -> memref<1x1x128xi32, #tpu.memory_space<vmem>>
    %dma_wait3A_207 = tpu.memref_squeeze %dma_wait3A_206 : memref<1x1x128xi32, #tpu.memory_space<vmem>> -> memref<128xi32, #tpu.memory_space<vmem>>
    %dma_wait3A_208 = arith.constant 0 : i32
    %dma_wait3A_209 = tpu.memref_slice %arg2[%dma_wait3A_208] : memref<4096xf32, #tpu.memory_space<hbm>> -> memref<4096xf32, #tpu.memory_space<hbm>>
    tpu.wait_indirect_dma semaphore(%arg11 : memref<!tpu.dma_semaphore, #tpu.memory_space<semaphore_mem>>) src(%dma_wait3A_209 : memref<4096xf32, #tpu.memory_space<hbm>>) dst(%dma_wait3A_204 : memref<128xf32, #tpu.memory_space<vmem>>)
    %dma_wait3A_210 = arith.constant 0 : i32
    %dma_wait3A_211 = arith.constant 3 : i32
    %dma_wait3A_212 = arith.constant 0 : i32
    %dma_wait3A_213 = arith.constant 384 : i32
    %dma_wait3A_214 = tpu.memref_slice %arg9[%dma_wait3A_212, %dma_wait3A_213] : memref<4x512xf32, #tpu.memory_space<vmem>> -> memref<1x128xf32, #tpu.memory_space<vmem>>
    %dma_wait3A_215 = tpu.memref_squeeze %dma_wait3A_214 : memref<1x128xf32, #tpu.memory_space<vmem>> -> memref<128xf32, #tpu.memory_space<vmem>>
    %dma_wait3A_216 = arith.constant 0 : i32
    %dma_wait3A_217 = tpu.memref_slice %arg8[%dma_wait3A_210, %dma_wait3A_211, %dma_wait3A_216] : memref<4x4x128xi32, #tpu.memory_space<vmem>> -> memref<1x1x128xi32, #tpu.memory_space<vmem>>
    %dma_wait3A_218 = tpu.memref_squeeze %dma_wait3A_217 : memref<1x1x128xi32, #tpu.memory_space<vmem>> -> memref<128xi32, #tpu.memory_space<vmem>>
    %dma_wait3A_219 = arith.constant 0 : i32
    %dma_wait3A_220 = tpu.memref_slice %arg2[%dma_wait3A_219] : memref<4096xf32, #tpu.memory_space<hbm>> -> memref<4096xf32, #tpu.memory_space<hbm>>
    tpu.wait_indirect_dma semaphore(%arg11 : memref<!tpu.dma_semaphore, #tpu.memory_space<semaphore_mem>>) src(%dma_wait3A_220 : memref<4096xf32, #tpu.memory_space<hbm>>) dst(%dma_wait3A_215 : memref<128xf32, #tpu.memory_space<vmem>>)
    %dma_wait3A_221 = arith.constant 1 : i32
    %dma_wait3A_222 = arith.constant 0 : i32
    %dma_wait3A_223 = arith.constant 1 : i32
    %dma_wait3A_224 = arith.constant 0 : i32
    %dma_wait3A_225 = tpu.memref_slice %arg9[%dma_wait3A_223, %dma_wait3A_224] : memref<4x512xf32, #tpu.memory_space<vmem>> -> memref<1x128xf32, #tpu.memory_space<vmem>>
    %dma_wait3A_226 = tpu.memref_squeeze %dma_wait3A_225 : memref<1x128xf32, #tpu.memory_space<vmem>> -> memref<128xf32, #tpu.memory_space<vmem>>
    %dma_wait3A_227 = arith.constant 0 : i32
    %dma_wait3A_228 = tpu.memref_slice %arg8[%dma_wait3A_221, %dma_wait3A_222, %dma_wait3A_227] : memref<4x4x128xi32, #tpu.memory_space<vmem>> -> memref<1x1x128xi32, #tpu.memory_space<vmem>>
    %dma_wait3A_229 = tpu.memref_squeeze %dma_wait3A_228 : memref<1x1x128xi32, #tpu.memory_space<vmem>> -> memref<128xi32, #tpu.memory_space<vmem>>
    %dma_wait3A_230 = arith.constant 0 : i32
    %dma_wait3A_231 = tpu.memref_slice %arg3[%dma_wait3A_230] : memref<4096xf32, #tpu.memory_space<hbm>> -> memref<4096xf32, #tpu.memory_space<hbm>>
    tpu.wait_indirect_dma semaphore(%arg11 : memref<!tpu.dma_semaphore, #tpu.memory_space<semaphore_mem>>) src(%dma_wait3A_231 : memref<4096xf32, #tpu.memory_space<hbm>>) dst(%dma_wait3A_226 : memref<128xf32, #tpu.memory_space<vmem>>)
    %dma_wait3A_232 = arith.constant 1 : i32
    %dma_wait3A_233 = arith.constant 1 : i32
    %dma_wait3A_234 = arith.constant 1 : i32
    %dma_wait3A_235 = arith.constant 128 : i32
    %dma_wait3A_236 = tpu.memref_slice %arg9[%dma_wait3A_234, %dma_wait3A_235] : memref<4x512xf32, #tpu.memory_space<vmem>> -> memref<1x128xf32, #tpu.memory_space<vmem>>
    %dma_wait3A_237 = tpu.memref_squeeze %dma_wait3A_236 : memref<1x128xf32, #tpu.memory_space<vmem>> -> memref<128xf32, #tpu.memory_space<vmem>>
    %dma_wait3A_238 = arith.constant 0 : i32
    %dma_wait3A_239 = tpu.memref_slice %arg8[%dma_wait3A_232, %dma_wait3A_233, %dma_wait3A_238] : memref<4x4x128xi32, #tpu.memory_space<vmem>> -> memref<1x1x128xi32, #tpu.memory_space<vmem>>
    %dma_wait3A_240 = tpu.memref_squeeze %dma_wait3A_239 : memref<1x1x128xi32, #tpu.memory_space<vmem>> -> memref<128xi32, #tpu.memory_space<vmem>>
    %dma_wait3A_241 = arith.constant 0 : i32
    %dma_wait3A_242 = tpu.memref_slice %arg3[%dma_wait3A_241] : memref<4096xf32, #tpu.memory_space<hbm>> -> memref<4096xf32, #tpu.memory_space<hbm>>
    tpu.wait_indirect_dma semaphore(%arg11 : memref<!tpu.dma_semaphore, #tpu.memory_space<semaphore_mem>>) src(%dma_wait3A_242 : memref<4096xf32, #tpu.memory_space<hbm>>) dst(%dma_wait3A_237 : memref<128xf32, #tpu.memory_space<vmem>>)
    %dma_wait3A_243 = arith.constant 1 : i32
    %dma_wait3A_244 = arith.constant 2 : i32
    %dma_wait3A_245 = arith.constant 1 : i32
    %dma_wait3A_246 = arith.constant 256 : i32
    %dma_wait3A_247 = tpu.memref_slice %arg9[%dma_wait3A_245, %dma_wait3A_246] : memref<4x512xf32, #tpu.memory_space<vmem>> -> memref<1x128xf32, #tpu.memory_space<vmem>>
    %dma_wait3A_248 = tpu.memref_squeeze %dma_wait3A_247 : memref<1x128xf32, #tpu.memory_space<vmem>> -> memref<128xf32, #tpu.memory_space<vmem>>
    %dma_wait3A_249 = arith.constant 0 : i32
    %dma_wait3A_250 = tpu.memref_slice %arg8[%dma_wait3A_243, %dma_wait3A_244, %dma_wait3A_249] : memref<4x4x128xi32, #tpu.memory_space<vmem>> -> memref<1x1x128xi32, #tpu.memory_space<vmem>>
    %dma_wait3A_251 = tpu.memref_squeeze %dma_wait3A_250 : memref<1x1x128xi32, #tpu.memory_space<vmem>> -> memref<128xi32, #tpu.memory_space<vmem>>
    %dma_wait3A_252 = arith.constant 0 : i32
    %dma_wait3A_253 = tpu.memref_slice %arg3[%dma_wait3A_252] : memref<4096xf32, #tpu.memory_space<hbm>> -> memref<4096xf32, #tpu.memory_space<hbm>>
    tpu.wait_indirect_dma semaphore(%arg11 : memref<!tpu.dma_semaphore, #tpu.memory_space<semaphore_mem>>) src(%dma_wait3A_253 : memref<4096xf32, #tpu.memory_space<hbm>>) dst(%dma_wait3A_248 : memref<128xf32, #tpu.memory_space<vmem>>)
    %dma_wait3A_254 = arith.constant 1 : i32
    %dma_wait3A_255 = arith.constant 3 : i32
    %dma_wait3A_256 = arith.constant 1 : i32
    %dma_wait3A_257 = arith.constant 384 : i32
    %dma_wait3A_258 = tpu.memref_slice %arg9[%dma_wait3A_256, %dma_wait3A_257] : memref<4x512xf32, #tpu.memory_space<vmem>> -> memref<1x128xf32, #tpu.memory_space<vmem>>
    %dma_wait3A_259 = tpu.memref_squeeze %dma_wait3A_258 : memref<1x128xf32, #tpu.memory_space<vmem>> -> memref<128xf32, #tpu.memory_space<vmem>>
    %dma_wait3A_260 = arith.constant 0 : i32
    %dma_wait3A_261 = tpu.memref_slice %arg8[%dma_wait3A_254, %dma_wait3A_255, %dma_wait3A_260] : memref<4x4x128xi32, #tpu.memory_space<vmem>> -> memref<1x1x128xi32, #tpu.memory_space<vmem>>
    %dma_wait3A_262 = tpu.memref_squeeze %dma_wait3A_261 : memref<1x1x128xi32, #tpu.memory_space<vmem>> -> memref<128xi32, #tpu.memory_space<vmem>>
    %dma_wait3A_263 = arith.constant 0 : i32
    %dma_wait3A_264 = tpu.memref_slice %arg3[%dma_wait3A_263] : memref<4096xf32, #tpu.memory_space<hbm>> -> memref<4096xf32, #tpu.memory_space<hbm>>
    tpu.wait_indirect_dma semaphore(%arg11 : memref<!tpu.dma_semaphore, #tpu.memory_space<semaphore_mem>>) src(%dma_wait3A_264 : memref<4096xf32, #tpu.memory_space<hbm>>) dst(%dma_wait3A_259 : memref<128xf32, #tpu.memory_space<vmem>>)
    %dma_wait3A_265 = arith.constant 2 : i32
    %dma_wait3A_266 = arith.constant 0 : i32
    %dma_wait3A_267 = arith.constant 2 : i32
    %dma_wait3A_268 = arith.constant 0 : i32
    %dma_wait3A_269 = tpu.memref_slice %arg9[%dma_wait3A_267, %dma_wait3A_268] : memref<4x512xf32, #tpu.memory_space<vmem>> -> memref<1x128xf32, #tpu.memory_space<vmem>>
    %dma_wait3A_270 = tpu.memref_squeeze %dma_wait3A_269 : memref<1x128xf32, #tpu.memory_space<vmem>> -> memref<128xf32, #tpu.memory_space<vmem>>
    %dma_wait3A_271 = arith.constant 0 : i32
    %dma_wait3A_272 = tpu.memref_slice %arg8[%dma_wait3A_265, %dma_wait3A_266, %dma_wait3A_271] : memref<4x4x128xi32, #tpu.memory_space<vmem>> -> memref<1x1x128xi32, #tpu.memory_space<vmem>>
    %dma_wait3A_273 = tpu.memref_squeeze %dma_wait3A_272 : memref<1x1x128xi32, #tpu.memory_space<vmem>> -> memref<128xi32, #tpu.memory_space<vmem>>
    %dma_wait3A_274 = arith.constant 0 : i32
    %dma_wait3A_275 = tpu.memref_slice %arg4[%dma_wait3A_274] : memref<16777216xf32, #tpu.memory_space<hbm>> -> memref<16777216xf32, #tpu.memory_space<hbm>>
    tpu.wait_indirect_dma semaphore(%arg11 : memref<!tpu.dma_semaphore, #tpu.memory_space<semaphore_mem>>) src(%dma_wait3A_275 : memref<16777216xf32, #tpu.memory_space<hbm>>) dst(%dma_wait3A_270 : memref<128xf32, #tpu.memory_space<vmem>>)
    %dma_wait3A_276 = arith.constant 2 : i32
    %dma_wait3A_277 = arith.constant 1 : i32
    %dma_wait3A_278 = arith.constant 2 : i32
    %dma_wait3A_279 = arith.constant 128 : i32
    %dma_wait3A_280 = tpu.memref_slice %arg9[%dma_wait3A_278, %dma_wait3A_279] : memref<4x512xf32, #tpu.memory_space<vmem>> -> memref<1x128xf32, #tpu.memory_space<vmem>>
    %dma_wait3A_281 = tpu.memref_squeeze %dma_wait3A_280 : memref<1x128xf32, #tpu.memory_space<vmem>> -> memref<128xf32, #tpu.memory_space<vmem>>
    %dma_wait3A_282 = arith.constant 0 : i32
    %dma_wait3A_283 = tpu.memref_slice %arg8[%dma_wait3A_276, %dma_wait3A_277, %dma_wait3A_282] : memref<4x4x128xi32, #tpu.memory_space<vmem>> -> memref<1x1x128xi32, #tpu.memory_space<vmem>>
    %dma_wait3A_284 = tpu.memref_squeeze %dma_wait3A_283 : memref<1x1x128xi32, #tpu.memory_space<vmem>> -> memref<128xi32, #tpu.memory_space<vmem>>
    %dma_wait3A_285 = arith.constant 0 : i32
    %dma_wait3A_286 = tpu.memref_slice %arg4[%dma_wait3A_285] : memref<16777216xf32, #tpu.memory_space<hbm>> -> memref<16777216xf32, #tpu.memory_space<hbm>>
    tpu.wait_indirect_dma semaphore(%arg11 : memref<!tpu.dma_semaphore, #tpu.memory_space<semaphore_mem>>) src(%dma_wait3A_286 : memref<16777216xf32, #tpu.memory_space<hbm>>) dst(%dma_wait3A_281 : memref<128xf32, #tpu.memory_space<vmem>>)
    %dma_wait3A_287 = arith.constant 2 : i32
    %dma_wait3A_288 = arith.constant 2 : i32
    %dma_wait3A_289 = arith.constant 2 : i32
    %dma_wait3A_290 = arith.constant 256 : i32
    %dma_wait3A_291 = tpu.memref_slice %arg9[%dma_wait3A_289, %dma_wait3A_290] : memref<4x512xf32, #tpu.memory_space<vmem>> -> memref<1x128xf32, #tpu.memory_space<vmem>>
    %dma_wait3A_292 = tpu.memref_squeeze %dma_wait3A_291 : memref<1x128xf32, #tpu.memory_space<vmem>> -> memref<128xf32, #tpu.memory_space<vmem>>
    %dma_wait3A_293 = arith.constant 0 : i32
    %dma_wait3A_294 = tpu.memref_slice %arg8[%dma_wait3A_287, %dma_wait3A_288, %dma_wait3A_293] : memref<4x4x128xi32, #tpu.memory_space<vmem>> -> memref<1x1x128xi32, #tpu.memory_space<vmem>>
    %dma_wait3A_295 = tpu.memref_squeeze %dma_wait3A_294 : memref<1x1x128xi32, #tpu.memory_space<vmem>> -> memref<128xi32, #tpu.memory_space<vmem>>
    %dma_wait3A_296 = arith.constant 0 : i32
    %dma_wait3A_297 = tpu.memref_slice %arg4[%dma_wait3A_296] : memref<16777216xf32, #tpu.memory_space<hbm>> -> memref<16777216xf32, #tpu.memory_space<hbm>>
    tpu.wait_indirect_dma semaphore(%arg11 : memref<!tpu.dma_semaphore, #tpu.memory_space<semaphore_mem>>) src(%dma_wait3A_297 : memref<16777216xf32, #tpu.memory_space<hbm>>) dst(%dma_wait3A_292 : memref<128xf32, #tpu.memory_space<vmem>>)
    %dma_wait3A_298 = arith.constant 2 : i32
    %dma_wait3A_299 = arith.constant 3 : i32
    %dma_wait3A_300 = arith.constant 2 : i32
    %dma_wait3A_301 = arith.constant 384 : i32
    %dma_wait3A_302 = tpu.memref_slice %arg9[%dma_wait3A_300, %dma_wait3A_301] : memref<4x512xf32, #tpu.memory_space<vmem>> -> memref<1x128xf32, #tpu.memory_space<vmem>>
    %dma_wait3A_303 = tpu.memref_squeeze %dma_wait3A_302 : memref<1x128xf32, #tpu.memory_space<vmem>> -> memref<128xf32, #tpu.memory_space<vmem>>
    %dma_wait3A_304 = arith.constant 0 : i32
    %dma_wait3A_305 = tpu.memref_slice %arg8[%dma_wait3A_298, %dma_wait3A_299, %dma_wait3A_304] : memref<4x4x128xi32, #tpu.memory_space<vmem>> -> memref<1x1x128xi32, #tpu.memory_space<vmem>>
    %dma_wait3A_306 = tpu.memref_squeeze %dma_wait3A_305 : memref<1x1x128xi32, #tpu.memory_space<vmem>> -> memref<128xi32, #tpu.memory_space<vmem>>
    %dma_wait3A_307 = arith.constant 0 : i32
    %dma_wait3A_308 = tpu.memref_slice %arg4[%dma_wait3A_307] : memref<16777216xf32, #tpu.memory_space<hbm>> -> memref<16777216xf32, #tpu.memory_space<hbm>>
    tpu.wait_indirect_dma semaphore(%arg11 : memref<!tpu.dma_semaphore, #tpu.memory_space<semaphore_mem>>) src(%dma_wait3A_308 : memref<16777216xf32, #tpu.memory_space<hbm>>) dst(%dma_wait3A_303 : memref<128xf32, #tpu.memory_space<vmem>>)
    %dma_wait3A_309 = arith.constant 3 : i32
    %dma_wait3A_310 = arith.constant 0 : i32
    %dma_wait3A_311 = arith.constant 3 : i32
    %dma_wait3A_312 = arith.constant 0 : i32
    %dma_wait3A_313 = tpu.memref_slice %arg9[%dma_wait3A_311, %dma_wait3A_312] : memref<4x512xf32, #tpu.memory_space<vmem>> -> memref<1x128xf32, #tpu.memory_space<vmem>>
    %dma_wait3A_314 = tpu.memref_squeeze %dma_wait3A_313 : memref<1x128xf32, #tpu.memory_space<vmem>> -> memref<128xf32, #tpu.memory_space<vmem>>
    %dma_wait3A_315 = arith.constant 0 : i32
    %dma_wait3A_316 = tpu.memref_slice %arg8[%dma_wait3A_309, %dma_wait3A_310, %dma_wait3A_315] : memref<4x4x128xi32, #tpu.memory_space<vmem>> -> memref<1x1x128xi32, #tpu.memory_space<vmem>>
    %dma_wait3A_317 = tpu.memref_squeeze %dma_wait3A_316 : memref<1x1x128xi32, #tpu.memory_space<vmem>> -> memref<128xi32, #tpu.memory_space<vmem>>
    %dma_wait3A_318 = arith.constant 0 : i32
    %dma_wait3A_319 = tpu.memref_slice %arg5[%dma_wait3A_318] : memref<16777216xf32, #tpu.memory_space<hbm>> -> memref<16777216xf32, #tpu.memory_space<hbm>>
    tpu.wait_indirect_dma semaphore(%arg11 : memref<!tpu.dma_semaphore, #tpu.memory_space<semaphore_mem>>) src(%dma_wait3A_319 : memref<16777216xf32, #tpu.memory_space<hbm>>) dst(%dma_wait3A_314 : memref<128xf32, #tpu.memory_space<vmem>>)
    %dma_wait3A_320 = arith.constant 3 : i32
    %dma_wait3A_321 = arith.constant 1 : i32
    %dma_wait3A_322 = arith.constant 3 : i32
    %dma_wait3A_323 = arith.constant 128 : i32
    %dma_wait3A_324 = tpu.memref_slice %arg9[%dma_wait3A_322, %dma_wait3A_323] : memref<4x512xf32, #tpu.memory_space<vmem>> -> memref<1x128xf32, #tpu.memory_space<vmem>>
    %dma_wait3A_325 = tpu.memref_squeeze %dma_wait3A_324 : memref<1x128xf32, #tpu.memory_space<vmem>> -> memref<128xf32, #tpu.memory_space<vmem>>
    %dma_wait3A_326 = arith.constant 0 : i32
    %dma_wait3A_327 = tpu.memref_slice %arg8[%dma_wait3A_320, %dma_wait3A_321, %dma_wait3A_326] : memref<4x4x128xi32, #tpu.memory_space<vmem>> -> memref<1x1x128xi32, #tpu.memory_space<vmem>>
    %dma_wait3A_328 = tpu.memref_squeeze %dma_wait3A_327 : memref<1x1x128xi32, #tpu.memory_space<vmem>> -> memref<128xi32, #tpu.memory_space<vmem>>
    %dma_wait3A_329 = arith.constant 0 : i32
    %dma_wait3A_330 = tpu.memref_slice %arg5[%dma_wait3A_329] : memref<16777216xf32, #tpu.memory_space<hbm>> -> memref<16777216xf32, #tpu.memory_space<hbm>>
    tpu.wait_indirect_dma semaphore(%arg11 : memref<!tpu.dma_semaphore, #tpu.memory_space<semaphore_mem>>) src(%dma_wait3A_330 : memref<16777216xf32, #tpu.memory_space<hbm>>) dst(%dma_wait3A_325 : memref<128xf32, #tpu.memory_space<vmem>>)
    %dma_wait3A_331 = arith.constant 3 : i32
    %dma_wait3A_332 = arith.constant 2 : i32
    %dma_wait3A_333 = arith.constant 3 : i32
    %dma_wait3A_334 = arith.constant 256 : i32
    %dma_wait3A_335 = tpu.memref_slice %arg9[%dma_wait3A_333, %dma_wait3A_334] : memref<4x512xf32, #tpu.memory_space<vmem>> -> memref<1x128xf32, #tpu.memory_space<vmem>>
    %dma_wait3A_336 = tpu.memref_squeeze %dma_wait3A_335 : memref<1x128xf32, #tpu.memory_space<vmem>> -> memref<128xf32, #tpu.memory_space<vmem>>
    %dma_wait3A_337 = arith.constant 0 : i32
    %dma_wait3A_338 = tpu.memref_slice %arg8[%dma_wait3A_331, %dma_wait3A_332, %dma_wait3A_337] : memref<4x4x128xi32, #tpu.memory_space<vmem>> -> memref<1x1x128xi32, #tpu.memory_space<vmem>>
    %dma_wait3A_339 = tpu.memref_squeeze %dma_wait3A_338 : memref<1x1x128xi32, #tpu.memory_space<vmem>> -> memref<128xi32, #tpu.memory_space<vmem>>
    %dma_wait3A_340 = arith.constant 0 : i32
    %dma_wait3A_341 = tpu.memref_slice %arg5[%dma_wait3A_340] : memref<16777216xf32, #tpu.memory_space<hbm>> -> memref<16777216xf32, #tpu.memory_space<hbm>>
    tpu.wait_indirect_dma semaphore(%arg11 : memref<!tpu.dma_semaphore, #tpu.memory_space<semaphore_mem>>) src(%dma_wait3A_341 : memref<16777216xf32, #tpu.memory_space<hbm>>) dst(%dma_wait3A_336 : memref<128xf32, #tpu.memory_space<vmem>>)
    %dma_wait3A_342 = arith.constant 3 : i32
    %dma_wait3A_343 = arith.constant 3 : i32
    %dma_wait3A_344 = arith.constant 3 : i32
    %dma_wait3A_345 = arith.constant 384 : i32
    %dma_wait3A_346 = tpu.memref_slice %arg9[%dma_wait3A_344, %dma_wait3A_345] : memref<4x512xf32, #tpu.memory_space<vmem>> -> memref<1x128xf32, #tpu.memory_space<vmem>>
    %dma_wait3A_347 = tpu.memref_squeeze %dma_wait3A_346 : memref<1x128xf32, #tpu.memory_space<vmem>> -> memref<128xf32, #tpu.memory_space<vmem>>
    %dma_wait3A_348 = arith.constant 0 : i32
    %dma_wait3A_349 = tpu.memref_slice %arg8[%dma_wait3A_342, %dma_wait3A_343, %dma_wait3A_348] : memref<4x4x128xi32, #tpu.memory_space<vmem>> -> memref<1x1x128xi32, #tpu.memory_space<vmem>>
    %dma_wait3A_350 = tpu.memref_squeeze %dma_wait3A_349 : memref<1x1x128xi32, #tpu.memory_space<vmem>> -> memref<128xi32, #tpu.memory_space<vmem>>
    %dma_wait3A_351 = arith.constant 0 : i32
    %dma_wait3A_352 = tpu.memref_slice %arg5[%dma_wait3A_351] : memref<16777216xf32, #tpu.memory_space<hbm>> -> memref<16777216xf32, #tpu.memory_space<hbm>>
    tpu.wait_indirect_dma semaphore(%arg11 : memref<!tpu.dma_semaphore, #tpu.memory_space<semaphore_mem>>) src(%dma_wait3A_352 : memref<16777216xf32, #tpu.memory_space<hbm>>) dst(%dma_wait3A_347 : memref<128xf32, #tpu.memory_space<vmem>>)
    %get3A = arith.constant 0 : i32
    %get3A_353 = arith.index_cast %get3A : i32 to index
    %get3A_354 = arith.constant 0 : index
    %get3A_355 = tpu.vector_load %arg9[%get3A_353, %get3A_354] {strides = array<i32>} : memref<4x512xf32, #tpu.memory_space<vmem>>, vector<1x16xf32>,
    %get3A_356 = vector.shape_cast %get3A_355 : vector<1x16xf32> to vector<16xf32>
    %get3A_357 = arith.constant 1 : i32
    %get3A_358 = arith.index_cast %get3A_357 : i32 to index
    %get3A_359 = arith.constant 0 : index
    %get3A_360 = tpu.vector_load %arg9[%get3A_358, %get3A_359] {strides = array<i32>} : memref<4x512xf32, #tpu.memory_space<vmem>>, vector<1x16xf32>,
    %get3A_361 = vector.shape_cast %get3A_360 : vector<1x16xf32> to vector<16xf32>
    %add3A_362 = arith.addf %get3A_356, %get3A_361 : vector<16xf32>
    %get3A_363 = arith.constant 2 : i32
    %get3A_364 = arith.index_cast %get3A_363 : i32 to index
    %get3A_365 = arith.constant 0 : index
    %get3A_366 = tpu.vector_load %arg9[%get3A_364, %get3A_365] {strides = array<i32>} : memref<4x512xf32, #tpu.memory_space<vmem>>, vector<1x16xf32>,
    %get3A_367 = vector.shape_cast %get3A_366 : vector<1x16xf32> to vector<16xf32>
    %get3A_368 = arith.constant 3 : i32
    %get3A_369 = arith.index_cast %get3A_368 : i32 to index
    %get3A_370 = arith.constant 0 : index
    %get3A_371 = tpu.vector_load %arg9[%get3A_369, %get3A_370] {strides = array<i32>} : memref<4x512xf32, #tpu.memory_space<vmem>>, vector<1x16xf32>,
    %get3A_372 = vector.shape_cast %get3A_371 : vector<1x16xf32> to vector<16xf32>
    %add3A_373 = arith.addf %get3A_367, %get3A_372 : vector<16xf32>
    %add3A_374 = arith.addf %add3A_362, %add3A_373 : vector<16xf32>
    %swap3A = arith.constant 0 : index
    %swap3A_375 = tpu.vector_load %arg10[%swap3A] {strides = array<i32>} : memref<512xf32, #tpu.memory_space<vmem>>, vector<16xf32>,
    %swap3A_376 = vector.shape_cast %swap3A_375 : vector<16xf32> to vector<16xf32>
    %swap3A_377 = vector.shape_cast %add3A_374 : vector<16xf32> to vector<16xf32>
    tpu.vector_store %arg10[%swap3A], %swap3A_377 {strides = array<i32>} : memref<512xf32, #tpu.memory_space<vmem>>, vector<16xf32>,
    %get3A_378 = arith.constant 0 : i32
    %get3A_379 = arith.index_cast %get3A_378 : i32 to index
    %get3A_380 = arith.constant 16 : index
    %get3A_381 = tpu.vector_load %arg9[%get3A_379, %get3A_380] {strides = array<i32>} : memref<4x512xf32, #tpu.memory_space<vmem>>, vector<1x16xf32>,
    %get3A_382 = vector.shape_cast %get3A_381 : vector<1x16xf32> to vector<16xf32>
    %get3A_383 = arith.constant 1 : i32
    %get3A_384 = arith.index_cast %get3A_383 : i32 to index
    %get3A_385 = arith.constant 16 : index
    %get3A_386 = tpu.vector_load %arg9[%get3A_384, %get3A_385] {strides = array<i32>} : memref<4x512xf32, #tpu.memory_space<vmem>>, vector<1x16xf32>,
    %get3A_387 = vector.shape_cast %get3A_386 : vector<1x16xf32> to vector<16xf32>
    %add3A_388 = arith.addf %get3A_382, %get3A_387 : vector<16xf32>
    %get3A_389 = arith.constant 2 : i32
    %get3A_390 = arith.index_cast %get3A_389 : i32 to index
    %get3A_391 = arith.constant 16 : index
    %get3A_392 = tpu.vector_load %arg9[%get3A_390, %get3A_391] {strides = array<i32>} : memref<4x512xf32, #tpu.memory_space<vmem>>, vector<1x16xf32>,
    %get3A_393 = vector.shape_cast %get3A_392 : vector<1x16xf32> to vector<16xf32>
    %get3A_394 = arith.constant 3 : i32
    %get3A_395 = arith.index_cast %get3A_394 : i32 to index
    %get3A_396 = arith.constant 16 : index
    %get3A_397 = tpu.vector_load %arg9[%get3A_395, %get3A_396] {strides = array<i32>} : memref<4x512xf32, #tpu.memory_space<vmem>>, vector<1x16xf32>,
    %get3A_398 = vector.shape_cast %get3A_397 : vector<1x16xf32> to vector<16xf32>
    %add3A_399 = arith.addf %get3A_393, %get3A_398 : vector<16xf32>
    %add3A_400 = arith.addf %add3A_388, %add3A_399 : vector<16xf32>
    %swap3A_401 = arith.constant 16 : index
    %swap3A_402 = tpu.vector_load %arg10[%swap3A_401] {strides = array<i32>} : memref<512xf32, #tpu.memory_space<vmem>>, vector<16xf32>,
    %swap3A_403 = vector.shape_cast %swap3A_402 : vector<16xf32> to vector<16xf32>
    %swap3A_404 = vector.shape_cast %add3A_400 : vector<16xf32> to vector<16xf32>
    tpu.vector_store %arg10[%swap3A_401], %swap3A_404 {strides = array<i32>} : memref<512xf32, #tpu.memory_space<vmem>>, vector<16xf32>,
    %get3A_405 = arith.constant 0 : i32
    %get3A_406 = arith.index_cast %get3A_405 : i32 to index
    %get3A_407 = arith.constant 32 : index
    %get3A_408 = tpu.vector_load %arg9[%get3A_406, %get3A_407] {strides = array<i32>} : memref<4x512xf32, #tpu.memory_space<vmem>>, vector<1x16xf32>,
    %get3A_409 = vector.shape_cast %get3A_408 : vector<1x16xf32> to vector<16xf32>
    %get3A_410 = arith.constant 1 : i32
    %get3A_411 = arith.index_cast %get3A_410 : i32 to index
    %get3A_412 = arith.constant 32 : index
    %get3A_413 = tpu.vector_load %arg9[%get3A_411, %get3A_412] {strides = array<i32>} : memref<4x512xf32, #tpu.memory_space<vmem>>, vector<1x16xf32>,
    %get3A_414 = vector.shape_cast %get3A_413 : vector<1x16xf32> to vector<16xf32>
    %add3A_415 = arith.addf %get3A_409, %get3A_414 : vector<16xf32>
    %get3A_416 = arith.constant 2 : i32
    %get3A_417 = arith.index_cast %get3A_416 : i32 to index
    %get3A_418 = arith.constant 32 : index
    %get3A_419 = tpu.vector_load %arg9[%get3A_417, %get3A_418] {strides = array<i32>} : memref<4x512xf32, #tpu.memory_space<vmem>>, vector<1x16xf32>,
    %get3A_420 = vector.shape_cast %get3A_419 : vector<1x16xf32> to vector<16xf32>
    %get3A_421 = arith.constant 3 : i32
    %get3A_422 = arith.index_cast %get3A_421 : i32 to index
    %get3A_423 = arith.constant 32 : index
    %get3A_424 = tpu.vector_load %arg9[%get3A_422, %get3A_423] {strides = array<i32>} : memref<4x512xf32, #tpu.memory_space<vmem>>, vector<1x16xf32>,
    %get3A_425 = vector.shape_cast %get3A_424 : vector<1x16xf32> to vector<16xf32>
    %add3A_426 = arith.addf %get3A_420, %get3A_425 : vector<16xf32>
    %add3A_427 = arith.addf %add3A_415, %add3A_426 : vector<16xf32>
    %swap3A_428 = arith.constant 32 : index
    %swap3A_429 = tpu.vector_load %arg10[%swap3A_428] {strides = array<i32>} : memref<512xf32, #tpu.memory_space<vmem>>, vector<16xf32>,
    %swap3A_430 = vector.shape_cast %swap3A_429 : vector<16xf32> to vector<16xf32>
    %swap3A_431 = vector.shape_cast %add3A_427 : vector<16xf32> to vector<16xf32>
    tpu.vector_store %arg10[%swap3A_428], %swap3A_431 {strides = array<i32>} : memref<512xf32, #tpu.memory_space<vmem>>, vector<16xf32>,
    %get3A_432 = arith.constant 0 : i32
    %get3A_433 = arith.index_cast %get3A_432 : i32 to index
    %get3A_434 = arith.constant 48 : index
    %get3A_435 = tpu.vector_load %arg9[%get3A_433, %get3A_434] {strides = array<i32>} : memref<4x512xf32, #tpu.memory_space<vmem>>, vector<1x16xf32>,
    %get3A_436 = vector.shape_cast %get3A_435 : vector<1x16xf32> to vector<16xf32>
    %get3A_437 = arith.constant 1 : i32
    %get3A_438 = arith.index_cast %get3A_437 : i32 to index
    %get3A_439 = arith.constant 48 : index
    %get3A_440 = tpu.vector_load %arg9[%get3A_438, %get3A_439] {strides = array<i32>} : memref<4x512xf32, #tpu.memory_space<vmem>>, vector<1x16xf32>,
    %get3A_441 = vector.shape_cast %get3A_440 : vector<1x16xf32> to vector<16xf32>
    %add3A_442 = arith.addf %get3A_436, %get3A_441 : vector<16xf32>
    %get3A_443 = arith.constant 2 : i32
    %get3A_444 = arith.index_cast %get3A_443 : i32 to index
    %get3A_445 = arith.constant 48 : index
    %get3A_446 = tpu.vector_load %arg9[%get3A_444, %get3A_445] {strides = array<i32>} : memref<4x512xf32, #tpu.memory_space<vmem>>, vector<1x16xf32>,
    %get3A_447 = vector.shape_cast %get3A_446 : vector<1x16xf32> to vector<16xf32>
    %get3A_448 = arith.constant 3 : i32
    %get3A_449 = arith.index_cast %get3A_448 : i32 to index
    %get3A_450 = arith.constant 48 : index
    %get3A_451 = tpu.vector_load %arg9[%get3A_449, %get3A_450] {strides = array<i32>} : memref<4x512xf32, #tpu.memory_space<vmem>>, vector<1x16xf32>,
    %get3A_452 = vector.shape_cast %get3A_451 : vector<1x16xf32> to vector<16xf32>
    %add3A_453 = arith.addf %get3A_447, %get3A_452 : vector<16xf32>
    %add3A_454 = arith.addf %add3A_442, %add3A_453 : vector<16xf32>
    %swap3A_455 = arith.constant 48 : index
    %swap3A_456 = tpu.vector_load %arg10[%swap3A_455] {strides = array<i32>} : memref<512xf32, #tpu.memory_space<vmem>>, vector<16xf32>,
    %swap3A_457 = vector.shape_cast %swap3A_456 : vector<16xf32> to vector<16xf32>
    %swap3A_458 = vector.shape_cast %add3A_454 : vector<16xf32> to vector<16xf32>
    tpu.vector_store %arg10[%swap3A_455], %swap3A_458 {strides = array<i32>} : memref<512xf32, #tpu.memory_space<vmem>>, vector<16xf32>,
    %get3A_459 = arith.constant 0 : i32
    %get3A_460 = arith.index_cast %get3A_459 : i32 to index
    %get3A_461 = arith.constant 64 : index
    %get3A_462 = tpu.vector_load %arg9[%get3A_460, %get3A_461] {strides = array<i32>} : memref<4x512xf32, #tpu.memory_space<vmem>>, vector<1x16xf32>,
    %get3A_463 = vector.shape_cast %get3A_462 : vector<1x16xf32> to vector<16xf32>
    %get3A_464 = arith.constant 1 : i32
    %get3A_465 = arith.index_cast %get3A_464 : i32 to index
    %get3A_466 = arith.constant 64 : index
    %get3A_467 = tpu.vector_load %arg9[%get3A_465, %get3A_466] {strides = array<i32>} : memref<4x512xf32, #tpu.memory_space<vmem>>, vector<1x16xf32>,
    %get3A_468 = vector.shape_cast %get3A_467 : vector<1x16xf32> to vector<16xf32>
    %add3A_469 = arith.addf %get3A_463, %get3A_468 : vector<16xf32>
    %get3A_470 = arith.constant 2 : i32
    %get3A_471 = arith.index_cast %get3A_470 : i32 to index
    %get3A_472 = arith.constant 64 : index
    %get3A_473 = tpu.vector_load %arg9[%get3A_471, %get3A_472] {strides = array<i32>} : memref<4x512xf32, #tpu.memory_space<vmem>>, vector<1x16xf32>,
    %get3A_474 = vector.shape_cast %get3A_473 : vector<1x16xf32> to vector<16xf32>
    %get3A_475 = arith.constant 3 : i32
    %get3A_476 = arith.index_cast %get3A_475 : i32 to index
    %get3A_477 = arith.constant 64 : index
    %get3A_478 = tpu.vector_load %arg9[%get3A_476, %get3A_477] {strides = array<i32>} : memref<4x512xf32, #tpu.memory_space<vmem>>, vector<1x16xf32>,
    %get3A_479 = vector.shape_cast %get3A_478 : vector<1x16xf32> to vector<16xf32>
    %add3A_480 = arith.addf %get3A_474, %get3A_479 : vector<16xf32>
    %add3A_481 = arith.addf %add3A_469, %add3A_480 : vector<16xf32>
    %swap3A_482 = arith.constant 64 : index
    %swap3A_483 = tpu.vector_load %arg10[%swap3A_482] {strides = array<i32>} : memref<512xf32, #tpu.memory_space<vmem>>, vector<16xf32>,
    %swap3A_484 = vector.shape_cast %swap3A_483 : vector<16xf32> to vector<16xf32>
    %swap3A_485 = vector.shape_cast %add3A_481 : vector<16xf32> to vector<16xf32>
    tpu.vector_store %arg10[%swap3A_482], %swap3A_485 {strides = array<i32>} : memref<512xf32, #tpu.memory_space<vmem>>, vector<16xf32>,
    %get3A_486 = arith.constant 0 : i32
    %get3A_487 = arith.index_cast %get3A_486 : i32 to index
    %get3A_488 = arith.constant 80 : index
    %get3A_489 = tpu.vector_load %arg9[%get3A_487, %get3A_488] {strides = array<i32>} : memref<4x512xf32, #tpu.memory_space<vmem>>, vector<1x16xf32>,
    %get3A_490 = vector.shape_cast %get3A_489 : vector<1x16xf32> to vector<16xf32>
    %get3A_491 = arith.constant 1 : i32
    %get3A_492 = arith.index_cast %get3A_491 : i32 to index
    %get3A_493 = arith.constant 80 : index
    %get3A_494 = tpu.vector_load %arg9[%get3A_492, %get3A_493] {strides = array<i32>} : memref<4x512xf32, #tpu.memory_space<vmem>>, vector<1x16xf32>,
    %get3A_495 = vector.shape_cast %get3A_494 : vector<1x16xf32> to vector<16xf32>
    %add3A_496 = arith.addf %get3A_490, %get3A_495 : vector<16xf32>
    %get3A_497 = arith.constant 2 : i32
    %get3A_498 = arith.index_cast %get3A_497 : i32 to index
    %get3A_499 = arith.constant 80 : index
    %get3A_500 = tpu.vector_load %arg9[%get3A_498, %get3A_499] {strides = array<i32>} : memref<4x512xf32, #tpu.memory_space<vmem>>, vector<1x16xf32>,
    %get3A_501 = vector.shape_cast %get3A_500 : vector<1x16xf32> to vector<16xf32>
    %get3A_502 = arith.constant 3 : i32
    %get3A_503 = arith.index_cast %get3A_502 : i32 to index
    %get3A_504 = arith.constant 80 : index
    %get3A_505 = tpu.vector_load %arg9[%get3A_503, %get3A_504] {strides = array<i32>} : memref<4x512xf32, #tpu.memory_space<vmem>>, vector<1x16xf32>,
    %get3A_506 = vector.shape_cast %get3A_505 : vector<1x16xf32> to vector<16xf32>
    %add3A_507 = arith.addf %get3A_501, %get3A_506 : vector<16xf32>
    %add3A_508 = arith.addf %add3A_496, %add3A_507 : vector<16xf32>
    %swap3A_509 = arith.constant 80 : index
    %swap3A_510 = tpu.vector_load %arg10[%swap3A_509] {strides = array<i32>} : memref<512xf32, #tpu.memory_space<vmem>>, vector<16xf32>,
    %swap3A_511 = vector.shape_cast %swap3A_510 : vector<16xf32> to vector<16xf32>
    %swap3A_512 = vector.shape_cast %add3A_508 : vector<16xf32> to vector<16xf32>
    tpu.vector_store %arg10[%swap3A_509], %swap3A_512 {strides = array<i32>} : memref<512xf32, #tpu.memory_space<vmem>>, vector<16xf32>,
    %get3A_513 = arith.constant 0 : i32
    %get3A_514 = arith.index_cast %get3A_513 : i32 to index
    %get3A_515 = arith.constant 96 : index
    %get3A_516 = tpu.vector_load %arg9[%get3A_514, %get3A_515] {strides = array<i32>} : memref<4x512xf32, #tpu.memory_space<vmem>>, vector<1x16xf32>,
    %get3A_517 = vector.shape_cast %get3A_516 : vector<1x16xf32> to vector<16xf32>
    %get3A_518 = arith.constant 1 : i32
    %get3A_519 = arith.index_cast %get3A_518 : i32 to index
    %get3A_520 = arith.constant 96 : index
    %get3A_521 = tpu.vector_load %arg9[%get3A_519, %get3A_520] {strides = array<i32>} : memref<4x512xf32, #tpu.memory_space<vmem>>, vector<1x16xf32>,
    %get3A_522 = vector.shape_cast %get3A_521 : vector<1x16xf32> to vector<16xf32>
    %add3A_523 = arith.addf %get3A_517, %get3A_522 : vector<16xf32>
    %get3A_524 = arith.constant 2 : i32
    %get3A_525 = arith.index_cast %get3A_524 : i32 to index
    %get3A_526 = arith.constant 96 : index
    %get3A_527 = tpu.vector_load %arg9[%get3A_525, %get3A_526] {strides = array<i32>} : memref<4x512xf32, #tpu.memory_space<vmem>>, vector<1x16xf32>,
    %get3A_528 = vector.shape_cast %get3A_527 : vector<1x16xf32> to vector<16xf32>
    %get3A_529 = arith.constant 3 : i32
    %get3A_530 = arith.index_cast %get3A_529 : i32 to index
    %get3A_531 = arith.constant 96 : index
    %get3A_532 = tpu.vector_load %arg9[%get3A_530, %get3A_531] {strides = array<i32>} : memref<4x512xf32, #tpu.memory_space<vmem>>, vector<1x16xf32>,
    %get3A_533 = vector.shape_cast %get3A_532 : vector<1x16xf32> to vector<16xf32>
    %add3A_534 = arith.addf %get3A_528, %get3A_533 : vector<16xf32>
    %add3A_535 = arith.addf %add3A_523, %add3A_534 : vector<16xf32>
    %swap3A_536 = arith.constant 96 : index
    %swap3A_537 = tpu.vector_load %arg10[%swap3A_536] {strides = array<i32>} : memref<512xf32, #tpu.memory_space<vmem>>, vector<16xf32>,
    %swap3A_538 = vector.shape_cast %swap3A_537 : vector<16xf32> to vector<16xf32>
    %swap3A_539 = vector.shape_cast %add3A_535 : vector<16xf32> to vector<16xf32>
    tpu.vector_store %arg10[%swap3A_536], %swap3A_539 {strides = array<i32>} : memref<512xf32, #tpu.memory_space<vmem>>, vector<16xf32>,
    %get3A_540 = arith.constant 0 : i32
    %get3A_541 = arith.index_cast %get3A_540 : i32 to index
    %get3A_542 = arith.constant 112 : index
    %get3A_543 = tpu.vector_load %arg9[%get3A_541, %get3A_542] {strides = array<i32>} : memref<4x512xf32, #tpu.memory_space<vmem>>, vector<1x16xf32>,
    %get3A_544 = vector.shape_cast %get3A_543 : vector<1x16xf32> to vector<16xf32>
    %get3A_545 = arith.constant 1 : i32
    %get3A_546 = arith.index_cast %get3A_545 : i32 to index
    %get3A_547 = arith.constant 112 : index
    %get3A_548 = tpu.vector_load %arg9[%get3A_546, %get3A_547] {strides = array<i32>} : memref<4x512xf32, #tpu.memory_space<vmem>>, vector<1x16xf32>,
    %get3A_549 = vector.shape_cast %get3A_548 : vector<1x16xf32> to vector<16xf32>
    %add3A_550 = arith.addf %get3A_544, %get3A_549 : vector<16xf32>
    %get3A_551 = arith.constant 2 : i32
    %get3A_552 = arith.index_cast %get3A_551 : i32 to index
    %get3A_553 = arith.constant 112 : index
    %get3A_554 = tpu.vector_load %arg9[%get3A_552, %get3A_553] {strides = array<i32>} : memref<4x512xf32, #tpu.memory_space<vmem>>, vector<1x16xf32>,
    %get3A_555 = vector.shape_cast %get3A_554 : vector<1x16xf32> to vector<16xf32>
    %get3A_556 = arith.constant 3 : i32
    %get3A_557 = arith.index_cast %get3A_556 : i32 to index
    %get3A_558 = arith.constant 112 : index
    %get3A_559 = tpu.vector_load %arg9[%get3A_557, %get3A_558] {strides = array<i32>} : memref<4x512xf32, #tpu.memory_space<vmem>>, vector<1x16xf32>,
    %get3A_560 = vector.shape_cast %get3A_559 : vector<1x16xf32> to vector<16xf32>
    %add3A_561 = arith.addf %get3A_555, %get3A_560 : vector<16xf32>
    %add3A_562 = arith.addf %add3A_550, %add3A_561 : vector<16xf32>
    %swap3A_563 = arith.constant 112 : index
    %swap3A_564 = tpu.vector_load %arg10[%swap3A_563] {strides = array<i32>} : memref<512xf32, #tpu.memory_space<vmem>>, vector<16xf32>,
    %swap3A_565 = vector.shape_cast %swap3A_564 : vector<16xf32> to vector<16xf32>
    %swap3A_566 = vector.shape_cast %add3A_562 : vector<16xf32> to vector<16xf32>
    tpu.vector_store %arg10[%swap3A_563], %swap3A_566 {strides = array<i32>} : memref<512xf32, #tpu.memory_space<vmem>>, vector<16xf32>,
    %get3A_567 = arith.constant 0 : i32
    %get3A_568 = arith.index_cast %get3A_567 : i32 to index
    %get3A_569 = arith.constant 128 : index
    %get3A_570 = tpu.vector_load %arg9[%get3A_568, %get3A_569] {strides = array<i32>} : memref<4x512xf32, #tpu.memory_space<vmem>>, vector<1x16xf32>,
    %get3A_571 = vector.shape_cast %get3A_570 : vector<1x16xf32> to vector<16xf32>
    %get3A_572 = arith.constant 1 : i32
    %get3A_573 = arith.index_cast %get3A_572 : i32 to index
    %get3A_574 = arith.constant 128 : index
    %get3A_575 = tpu.vector_load %arg9[%get3A_573, %get3A_574] {strides = array<i32>} : memref<4x512xf32, #tpu.memory_space<vmem>>, vector<1x16xf32>,
    %get3A_576 = vector.shape_cast %get3A_575 : vector<1x16xf32> to vector<16xf32>
    %add3A_577 = arith.addf %get3A_571, %get3A_576 : vector<16xf32>
    %get3A_578 = arith.constant 2 : i32
    %get3A_579 = arith.index_cast %get3A_578 : i32 to index
    %get3A_580 = arith.constant 128 : index
    %get3A_581 = tpu.vector_load %arg9[%get3A_579, %get3A_580] {strides = array<i32>} : memref<4x512xf32, #tpu.memory_space<vmem>>, vector<1x16xf32>,
    %get3A_582 = vector.shape_cast %get3A_581 : vector<1x16xf32> to vector<16xf32>
    %get3A_583 = arith.constant 3 : i32
    %get3A_584 = arith.index_cast %get3A_583 : i32 to index
    %get3A_585 = arith.constant 128 : index
    %get3A_586 = tpu.vector_load %arg9[%get3A_584, %get3A_585] {strides = array<i32>} : memref<4x512xf32, #tpu.memory_space<vmem>>, vector<1x16xf32>,
    %get3A_587 = vector.shape_cast %get3A_586 : vector<1x16xf32> to vector<16xf32>
    %add3A_588 = arith.addf %get3A_582, %get3A_587 : vector<16xf32>
    %add3A_589 = arith.addf %add3A_577, %add3A_588 : vector<16xf32>
    %swap3A_590 = arith.constant 128 : index
    %swap3A_591 = tpu.vector_load %arg10[%swap3A_590] {strides = array<i32>} : memref<512xf32, #tpu.memory_space<vmem>>, vector<16xf32>,
    %swap3A_592 = vector.shape_cast %swap3A_591 : vector<16xf32> to vector<16xf32>
    %swap3A_593 = vector.shape_cast %add3A_589 : vector<16xf32> to vector<16xf32>
    tpu.vector_store %arg10[%swap3A_590], %swap3A_593 {strides = array<i32>} : memref<512xf32, #tpu.memory_space<vmem>>, vector<16xf32>,
    %get3A_594 = arith.constant 0 : i32
    %get3A_595 = arith.index_cast %get3A_594 : i32 to index
    %get3A_596 = arith.constant 144 : index
    %get3A_597 = tpu.vector_load %arg9[%get3A_595, %get3A_596] {strides = array<i32>} : memref<4x512xf32, #tpu.memory_space<vmem>>, vector<1x16xf32>,
    %get3A_598 = vector.shape_cast %get3A_597 : vector<1x16xf32> to vector<16xf32>
    %get3A_599 = arith.constant 1 : i32
    %get3A_600 = arith.index_cast %get3A_599 : i32 to index
    %get3A_601 = arith.constant 144 : index
    %get3A_602 = tpu.vector_load %arg9[%get3A_600, %get3A_601] {strides = array<i32>} : memref<4x512xf32, #tpu.memory_space<vmem>>, vector<1x16xf32>,
    %get3A_603 = vector.shape_cast %get3A_602 : vector<1x16xf32> to vector<16xf32>
    %add3A_604 = arith.addf %get3A_598, %get3A_603 : vector<16xf32>
    %get3A_605 = arith.constant 2 : i32
    %get3A_606 = arith.index_cast %get3A_605 : i32 to index
    %get3A_607 = arith.constant 144 : index
    %get3A_608 = tpu.vector_load %arg9[%get3A_606, %get3A_607] {strides = array<i32>} : memref<4x512xf32, #tpu.memory_space<vmem>>, vector<1x16xf32>,
    %get3A_609 = vector.shape_cast %get3A_608 : vector<1x16xf32> to vector<16xf32>
    %get3A_610 = arith.constant 3 : i32
    %get3A_611 = arith.index_cast %get3A_610 : i32 to index
    %get3A_612 = arith.constant 144 : index
    %get3A_613 = tpu.vector_load %arg9[%get3A_611, %get3A_612] {strides = array<i32>} : memref<4x512xf32, #tpu.memory_space<vmem>>, vector<1x16xf32>,
    %get3A_614 = vector.shape_cast %get3A_613 : vector<1x16xf32> to vector<16xf32>
    %add3A_615 = arith.addf %get3A_609, %get3A_614 : vector<16xf32>
    %add3A_616 = arith.addf %add3A_604, %add3A_615 : vector<16xf32>
    %swap3A_617 = arith.constant 144 : index
    %swap3A_618 = tpu.vector_load %arg10[%swap3A_617] {strides = array<i32>} : memref<512xf32, #tpu.memory_space<vmem>>, vector<16xf32>,
    %swap3A_619 = vector.shape_cast %swap3A_618 : vector<16xf32> to vector<16xf32>
    %swap3A_620 = vector.shape_cast %add3A_616 : vector<16xf32> to vector<16xf32>
    tpu.vector_store %arg10[%swap3A_617], %swap3A_620 {strides = array<i32>} : memref<512xf32, #tpu.memory_space<vmem>>, vector<16xf32>,
    %get3A_621 = arith.constant 0 : i32
    %get3A_622 = arith.index_cast %get3A_621 : i32 to index
    %get3A_623 = arith.constant 160 : index
    %get3A_624 = tpu.vector_load %arg9[%get3A_622, %get3A_623] {strides = array<i32>} : memref<4x512xf32, #tpu.memory_space<vmem>>, vector<1x16xf32>,
    %get3A_625 = vector.shape_cast %get3A_624 : vector<1x16xf32> to vector<16xf32>
    %get3A_626 = arith.constant 1 : i32
    %get3A_627 = arith.index_cast %get3A_626 : i32 to index
    %get3A_628 = arith.constant 160 : index
    %get3A_629 = tpu.vector_load %arg9[%get3A_627, %get3A_628] {strides = array<i32>} : memref<4x512xf32, #tpu.memory_space<vmem>>, vector<1x16xf32>,
    %get3A_630 = vector.shape_cast %get3A_629 : vector<1x16xf32> to vector<16xf32>
    %add3A_631 = arith.addf %get3A_625, %get3A_630 : vector<16xf32>
    %get3A_632 = arith.constant 2 : i32
    %get3A_633 = arith.index_cast %get3A_632 : i32 to index
    %get3A_634 = arith.constant 160 : index
    %get3A_635 = tpu.vector_load %arg9[%get3A_633, %get3A_634] {strides = array<i32>} : memref<4x512xf32, #tpu.memory_space<vmem>>, vector<1x16xf32>,
    %get3A_636 = vector.shape_cast %get3A_635 : vector<1x16xf32> to vector<16xf32>
    %get3A_637 = arith.constant 3 : i32
    %get3A_638 = arith.index_cast %get3A_637 : i32 to index
    %get3A_639 = arith.constant 160 : index
    %get3A_640 = tpu.vector_load %arg9[%get3A_638, %get3A_639] {strides = array<i32>} : memref<4x512xf32, #tpu.memory_space<vmem>>, vector<1x16xf32>,
    %get3A_641 = vector.shape_cast %get3A_640 : vector<1x16xf32> to vector<16xf32>
    %add3A_642 = arith.addf %get3A_636, %get3A_641 : vector<16xf32>
    %add3A_643 = arith.addf %add3A_631, %add3A_642 : vector<16xf32>
    %swap3A_644 = arith.constant 160 : index
    %swap3A_645 = tpu.vector_load %arg10[%swap3A_644] {strides = array<i32>} : memref<512xf32, #tpu.memory_space<vmem>>, vector<16xf32>,
    %swap3A_646 = vector.shape_cast %swap3A_645 : vector<16xf32> to vector<16xf32>
    %swap3A_647 = vector.shape_cast %add3A_643 : vector<16xf32> to vector<16xf32>
    tpu.vector_store %arg10[%swap3A_644], %swap3A_647 {strides = array<i32>} : memref<512xf32, #tpu.memory_space<vmem>>, vector<16xf32>,
    %get3A_648 = arith.constant 0 : i32
    %get3A_649 = arith.index_cast %get3A_648 : i32 to index
    %get3A_650 = arith.constant 176 : index
    %get3A_651 = tpu.vector_load %arg9[%get3A_649, %get3A_650] {strides = array<i32>} : memref<4x512xf32, #tpu.memory_space<vmem>>, vector<1x16xf32>,
    %get3A_652 = vector.shape_cast %get3A_651 : vector<1x16xf32> to vector<16xf32>
    %get3A_653 = arith.constant 1 : i32
    %get3A_654 = arith.index_cast %get3A_653 : i32 to index
    %get3A_655 = arith.constant 176 : index
    %get3A_656 = tpu.vector_load %arg9[%get3A_654, %get3A_655] {strides = array<i32>} : memref<4x512xf32, #tpu.memory_space<vmem>>, vector<1x16xf32>,
    %get3A_657 = vector.shape_cast %get3A_656 : vector<1x16xf32> to vector<16xf32>
    %add3A_658 = arith.addf %get3A_652, %get3A_657 : vector<16xf32>
    %get3A_659 = arith.constant 2 : i32
    %get3A_660 = arith.index_cast %get3A_659 : i32 to index
    %get3A_661 = arith.constant 176 : index
    %get3A_662 = tpu.vector_load %arg9[%get3A_660, %get3A_661] {strides = array<i32>} : memref<4x512xf32, #tpu.memory_space<vmem>>, vector<1x16xf32>,
    %get3A_663 = vector.shape_cast %get3A_662 : vector<1x16xf32> to vector<16xf32>
    %get3A_664 = arith.constant 3 : i32
    %get3A_665 = arith.index_cast %get3A_664 : i32 to index
    %get3A_666 = arith.constant 176 : index
    %get3A_667 = tpu.vector_load %arg9[%get3A_665, %get3A_666] {strides = array<i32>} : memref<4x512xf32, #tpu.memory_space<vmem>>, vector<1x16xf32>,
    %get3A_668 = vector.shape_cast %get3A_667 : vector<1x16xf32> to vector<16xf32>
    %add3A_669 = arith.addf %get3A_663, %get3A_668 : vector<16xf32>
    %add3A_670 = arith.addf %add3A_658, %add3A_669 : vector<16xf32>
    %swap3A_671 = arith.constant 176 : index
    %swap3A_672 = tpu.vector_load %arg10[%swap3A_671] {strides = array<i32>} : memref<512xf32, #tpu.memory_space<vmem>>, vector<16xf32>,
    %swap3A_673 = vector.shape_cast %swap3A_672 : vector<16xf32> to vector<16xf32>
    %swap3A_674 = vector.shape_cast %add3A_670 : vector<16xf32> to vector<16xf32>
    tpu.vector_store %arg10[%swap3A_671], %swap3A_674 {strides = array<i32>} : memref<512xf32, #tpu.memory_space<vmem>>, vector<16xf32>,
    %get3A_675 = arith.constant 0 : i32
    %get3A_676 = arith.index_cast %get3A_675 : i32 to index
    %get3A_677 = arith.constant 192 : index
    %get3A_678 = tpu.vector_load %arg9[%get3A_676, %get3A_677] {strides = array<i32>} : memref<4x512xf32, #tpu.memory_space<vmem>>, vector<1x16xf32>,
    %get3A_679 = vector.shape_cast %get3A_678 : vector<1x16xf32> to vector<16xf32>
    %get3A_680 = arith.constant 1 : i32
    %get3A_681 = arith.index_cast %get3A_680 : i32 to index
    %get3A_682 = arith.constant 192 : index
    %get3A_683 = tpu.vector_load %arg9[%get3A_681, %get3A_682] {strides = array<i32>} : memref<4x512xf32, #tpu.memory_space<vmem>>, vector<1x16xf32>,
    %get3A_684 = vector.shape_cast %get3A_683 : vector<1x16xf32> to vector<16xf32>
    %add3A_685 = arith.addf %get3A_679, %get3A_684 : vector<16xf32>
    %get3A_686 = arith.constant 2 : i32
    %get3A_687 = arith.index_cast %get3A_686 : i32 to index
    %get3A_688 = arith.constant 192 : index
    %get3A_689 = tpu.vector_load %arg9[%get3A_687, %get3A_688] {strides = array<i32>} : memref<4x512xf32, #tpu.memory_space<vmem>>, vector<1x16xf32>,
    %get3A_690 = vector.shape_cast %get3A_689 : vector<1x16xf32> to vector<16xf32>
    %get3A_691 = arith.constant 3 : i32
    %get3A_692 = arith.index_cast %get3A_691 : i32 to index
    %get3A_693 = arith.constant 192 : index
    %get3A_694 = tpu.vector_load %arg9[%get3A_692, %get3A_693] {strides = array<i32>} : memref<4x512xf32, #tpu.memory_space<vmem>>, vector<1x16xf32>,
    %get3A_695 = vector.shape_cast %get3A_694 : vector<1x16xf32> to vector<16xf32>
    %add3A_696 = arith.addf %get3A_690, %get3A_695 : vector<16xf32>
    %add3A_697 = arith.addf %add3A_685, %add3A_696 : vector<16xf32>
    %swap3A_698 = arith.constant 192 : index
    %swap3A_699 = tpu.vector_load %arg10[%swap3A_698] {strides = array<i32>} : memref<512xf32, #tpu.memory_space<vmem>>, vector<16xf32>,
    %swap3A_700 = vector.shape_cast %swap3A_699 : vector<16xf32> to vector<16xf32>
    %swap3A_701 = vector.shape_cast %add3A_697 : vector<16xf32> to vector<16xf32>
    tpu.vector_store %arg10[%swap3A_698], %swap3A_701 {strides = array<i32>} : memref<512xf32, #tpu.memory_space<vmem>>, vector<16xf32>,
    %get3A_702 = arith.constant 0 : i32
    %get3A_703 = arith.index_cast %get3A_702 : i32 to index
    %get3A_704 = arith.constant 208 : index
    %get3A_705 = tpu.vector_load %arg9[%get3A_703, %get3A_704] {strides = array<i32>} : memref<4x512xf32, #tpu.memory_space<vmem>>, vector<1x16xf32>,
    %get3A_706 = vector.shape_cast %get3A_705 : vector<1x16xf32> to vector<16xf32>
    %get3A_707 = arith.constant 1 : i32
    %get3A_708 = arith.index_cast %get3A_707 : i32 to index
    %get3A_709 = arith.constant 208 : index
    %get3A_710 = tpu.vector_load %arg9[%get3A_708, %get3A_709] {strides = array<i32>} : memref<4x512xf32, #tpu.memory_space<vmem>>, vector<1x16xf32>,
    %get3A_711 = vector.shape_cast %get3A_710 : vector<1x16xf32> to vector<16xf32>
    %add3A_712 = arith.addf %get3A_706, %get3A_711 : vector<16xf32>
    %get3A_713 = arith.constant 2 : i32
    %get3A_714 = arith.index_cast %get3A_713 : i32 to index
    %get3A_715 = arith.constant 208 : index
    %get3A_716 = tpu.vector_load %arg9[%get3A_714, %get3A_715] {strides = array<i32>} : memref<4x512xf32, #tpu.memory_space<vmem>>, vector<1x16xf32>,
    %get3A_717 = vector.shape_cast %get3A_716 : vector<1x16xf32> to vector<16xf32>
    %get3A_718 = arith.constant 3 : i32
    %get3A_719 = arith.index_cast %get3A_718 : i32 to index
    %get3A_720 = arith.constant 208 : index
    %get3A_721 = tpu.vector_load %arg9[%get3A_719, %get3A_720] {strides = array<i32>} : memref<4x512xf32, #tpu.memory_space<vmem>>, vector<1x16xf32>,
    %get3A_722 = vector.shape_cast %get3A_721 : vector<1x16xf32> to vector<16xf32>
    %add3A_723 = arith.addf %get3A_717, %get3A_722 : vector<16xf32>
    %add3A_724 = arith.addf %add3A_712, %add3A_723 : vector<16xf32>
    %swap3A_725 = arith.constant 208 : index
    %swap3A_726 = tpu.vector_load %arg10[%swap3A_725] {strides = array<i32>} : memref<512xf32, #tpu.memory_space<vmem>>, vector<16xf32>,
    %swap3A_727 = vector.shape_cast %swap3A_726 : vector<16xf32> to vector<16xf32>
    %swap3A_728 = vector.shape_cast %add3A_724 : vector<16xf32> to vector<16xf32>
    tpu.vector_store %arg10[%swap3A_725], %swap3A_728 {strides = array<i32>} : memref<512xf32, #tpu.memory_space<vmem>>, vector<16xf32>,
    %get3A_729 = arith.constant 0 : i32
    %get3A_730 = arith.index_cast %get3A_729 : i32 to index
    %get3A_731 = arith.constant 224 : index
    %get3A_732 = tpu.vector_load %arg9[%get3A_730, %get3A_731] {strides = array<i32>} : memref<4x512xf32, #tpu.memory_space<vmem>>, vector<1x16xf32>,
    %get3A_733 = vector.shape_cast %get3A_732 : vector<1x16xf32> to vector<16xf32>
    %get3A_734 = arith.constant 1 : i32
    %get3A_735 = arith.index_cast %get3A_734 : i32 to index
    %get3A_736 = arith.constant 224 : index
    %get3A_737 = tpu.vector_load %arg9[%get3A_735, %get3A_736] {strides = array<i32>} : memref<4x512xf32, #tpu.memory_space<vmem>>, vector<1x16xf32>,
    %get3A_738 = vector.shape_cast %get3A_737 : vector<1x16xf32> to vector<16xf32>
    %add3A_739 = arith.addf %get3A_733, %get3A_738 : vector<16xf32>
    %get3A_740 = arith.constant 2 : i32
    %get3A_741 = arith.index_cast %get3A_740 : i32 to index
    %get3A_742 = arith.constant 224 : index
    %get3A_743 = tpu.vector_load %arg9[%get3A_741, %get3A_742] {strides = array<i32>} : memref<4x512xf32, #tpu.memory_space<vmem>>, vector<1x16xf32>,
    %get3A_744 = vector.shape_cast %get3A_743 : vector<1x16xf32> to vector<16xf32>
    %get3A_745 = arith.constant 3 : i32
    %get3A_746 = arith.index_cast %get3A_745 : i32 to index
    %get3A_747 = arith.constant 224 : index
    %get3A_748 = tpu.vector_load %arg9[%get3A_746, %get3A_747] {strides = array<i32>} : memref<4x512xf32, #tpu.memory_space<vmem>>, vector<1x16xf32>,
    %get3A_749 = vector.shape_cast %get3A_748 : vector<1x16xf32> to vector<16xf32>
    %add3A_750 = arith.addf %get3A_744, %get3A_749 : vector<16xf32>
    %add3A_751 = arith.addf %add3A_739, %add3A_750 : vector<16xf32>
    %swap3A_752 = arith.constant 224 : index
    %swap3A_753 = tpu.vector_load %arg10[%swap3A_752] {strides = array<i32>} : memref<512xf32, #tpu.memory_space<vmem>>, vector<16xf32>,
    %swap3A_754 = vector.shape_cast %swap3A_753 : vector<16xf32> to vector<16xf32>
    %swap3A_755 = vector.shape_cast %add3A_751 : vector<16xf32> to vector<16xf32>
    tpu.vector_store %arg10[%swap3A_752], %swap3A_755 {strides = array<i32>} : memref<512xf32, #tpu.memory_space<vmem>>, vector<16xf32>,
    %get3A_756 = arith.constant 0 : i32
    %get3A_757 = arith.index_cast %get3A_756 : i32 to index
    %get3A_758 = arith.constant 240 : index
    %get3A_759 = tpu.vector_load %arg9[%get3A_757, %get3A_758] {strides = array<i32>} : memref<4x512xf32, #tpu.memory_space<vmem>>, vector<1x16xf32>,
    %get3A_760 = vector.shape_cast %get3A_759 : vector<1x16xf32> to vector<16xf32>
    %get3A_761 = arith.constant 1 : i32
    %get3A_762 = arith.index_cast %get3A_761 : i32 to index
    %get3A_763 = arith.constant 240 : index
    %get3A_764 = tpu.vector_load %arg9[%get3A_762, %get3A_763] {strides = array<i32>} : memref<4x512xf32, #tpu.memory_space<vmem>>, vector<1x16xf32>,
    %get3A_765 = vector.shape_cast %get3A_764 : vector<1x16xf32> to vector<16xf32>
    %add3A_766 = arith.addf %get3A_760, %get3A_765 : vector<16xf32>
    %get3A_767 = arith.constant 2 : i32
    %get3A_768 = arith.index_cast %get3A_767 : i32 to index
    %get3A_769 = arith.constant 240 : index
    %get3A_770 = tpu.vector_load %arg9[%get3A_768, %get3A_769] {strides = array<i32>} : memref<4x512xf32, #tpu.memory_space<vmem>>, vector<1x16xf32>,
    %get3A_771 = vector.shape_cast %get3A_770 : vector<1x16xf32> to vector<16xf32>
    %get3A_772 = arith.constant 3 : i32
    %get3A_773 = arith.index_cast %get3A_772 : i32 to index
    %get3A_774 = arith.constant 240 : index
    %get3A_775 = tpu.vector_load %arg9[%get3A_773, %get3A_774] {strides = array<i32>} : memref<4x512xf32, #tpu.memory_space<vmem>>, vector<1x16xf32>,
    %get3A_776 = vector.shape_cast %get3A_775 : vector<1x16xf32> to vector<16xf32>
    %add3A_777 = arith.addf %get3A_771, %get3A_776 : vector<16xf32>
    %add3A_778 = arith.addf %add3A_766, %add3A_777 : vector<16xf32>
    %swap3A_779 = arith.constant 240 : index
    %swap3A_780 = tpu.vector_load %arg10[%swap3A_779] {strides = array<i32>} : memref<512xf32, #tpu.memory_space<vmem>>, vector<16xf32>,
    %swap3A_781 = vector.shape_cast %swap3A_780 : vector<16xf32> to vector<16xf32>
    %swap3A_782 = vector.shape_cast %add3A_778 : vector<16xf32> to vector<16xf32>
    tpu.vector_store %arg10[%swap3A_779], %swap3A_782 {strides = array<i32>} : memref<512xf32, #tpu.memory_space<vmem>>, vector<16xf32>,
    %get3A_783 = arith.constant 0 : i32
    %get3A_784 = arith.index_cast %get3A_783 : i32 to index
    %get3A_785 = arith.constant 256 : index
    %get3A_786 = tpu.vector_load %arg9[%get3A_784, %get3A_785] {strides = array<i32>} : memref<4x512xf32, #tpu.memory_space<vmem>>, vector<1x16xf32>,
    %get3A_787 = vector.shape_cast %get3A_786 : vector<1x16xf32> to vector<16xf32>
    %get3A_788 = arith.constant 1 : i32
    %get3A_789 = arith.index_cast %get3A_788 : i32 to index
    %get3A_790 = arith.constant 256 : index
    %get3A_791 = tpu.vector_load %arg9[%get3A_789, %get3A_790] {strides = array<i32>} : memref<4x512xf32, #tpu.memory_space<vmem>>, vector<1x16xf32>,
    %get3A_792 = vector.shape_cast %get3A_791 : vector<1x16xf32> to vector<16xf32>
    %add3A_793 = arith.addf %get3A_787, %get3A_792 : vector<16xf32>
    %get3A_794 = arith.constant 2 : i32
    %get3A_795 = arith.index_cast %get3A_794 : i32 to index
    %get3A_796 = arith.constant 256 : index
    %get3A_797 = tpu.vector_load %arg9[%get3A_795, %get3A_796] {strides = array<i32>} : memref<4x512xf32, #tpu.memory_space<vmem>>, vector<1x16xf32>,
    %get3A_798 = vector.shape_cast %get3A_797 : vector<1x16xf32> to vector<16xf32>
    %get3A_799 = arith.constant 3 : i32
    %get3A_800 = arith.index_cast %get3A_799 : i32 to index
    %get3A_801 = arith.constant 256 : index
    %get3A_802 = tpu.vector_load %arg9[%get3A_800, %get3A_801] {strides = array<i32>} : memref<4x512xf32, #tpu.memory_space<vmem>>, vector<1x16xf32>,
    %get3A_803 = vector.shape_cast %get3A_802 : vector<1x16xf32> to vector<16xf32>
    %add3A_804 = arith.addf %get3A_798, %get3A_803 : vector<16xf32>
    %add3A_805 = arith.addf %add3A_793, %add3A_804 : vector<16xf32>
    %swap3A_806 = arith.constant 256 : index
    %swap3A_807 = tpu.vector_load %arg10[%swap3A_806] {strides = array<i32>} : memref<512xf32, #tpu.memory_space<vmem>>, vector<16xf32>,
    %swap3A_808 = vector.shape_cast %swap3A_807 : vector<16xf32> to vector<16xf32>
    %swap3A_809 = vector.shape_cast %add3A_805 : vector<16xf32> to vector<16xf32>
    tpu.vector_store %arg10[%swap3A_806], %swap3A_809 {strides = array<i32>} : memref<512xf32, #tpu.memory_space<vmem>>, vector<16xf32>,
    %get3A_810 = arith.constant 0 : i32
    %get3A_811 = arith.index_cast %get3A_810 : i32 to index
    %get3A_812 = arith.constant 272 : index
    %get3A_813 = tpu.vector_load %arg9[%get3A_811, %get3A_812] {strides = array<i32>} : memref<4x512xf32, #tpu.memory_space<vmem>>, vector<1x16xf32>,
    %get3A_814 = vector.shape_cast %get3A_813 : vector<1x16xf32> to vector<16xf32>
    %get3A_815 = arith.constant 1 : i32
    %get3A_816 = arith.index_cast %get3A_815 : i32 to index
    %get3A_817 = arith.constant 272 : index
    %get3A_818 = tpu.vector_load %arg9[%get3A_816, %get3A_817] {strides = array<i32>} : memref<4x512xf32, #tpu.memory_space<vmem>>, vector<1x16xf32>,
    %get3A_819 = vector.shape_cast %get3A_818 : vector<1x16xf32> to vector<16xf32>
    %add3A_820 = arith.addf %get3A_814, %get3A_819 : vector<16xf32>
    %get3A_821 = arith.constant 2 : i32
    %get3A_822 = arith.index_cast %get3A_821 : i32 to index
    %get3A_823 = arith.constant 272 : index
    %get3A_824 = tpu.vector_load %arg9[%get3A_822, %get3A_823] {strides = array<i32>} : memref<4x512xf32, #tpu.memory_space<vmem>>, vector<1x16xf32>,
    %get3A_825 = vector.shape_cast %get3A_824 : vector<1x16xf32> to vector<16xf32>
    %get3A_826 = arith.constant 3 : i32
    %get3A_827 = arith.index_cast %get3A_826 : i32 to index
    %get3A_828 = arith.constant 272 : index
    %get3A_829 = tpu.vector_load %arg9[%get3A_827, %get3A_828] {strides = array<i32>} : memref<4x512xf32, #tpu.memory_space<vmem>>, vector<1x16xf32>,
    %get3A_830 = vector.shape_cast %get3A_829 : vector<1x16xf32> to vector<16xf32>
    %add3A_831 = arith.addf %get3A_825, %get3A_830 : vector<16xf32>
    %add3A_832 = arith.addf %add3A_820, %add3A_831 : vector<16xf32>
    %swap3A_833 = arith.constant 272 : index
    %swap3A_834 = tpu.vector_load %arg10[%swap3A_833] {strides = array<i32>} : memref<512xf32, #tpu.memory_space<vmem>>, vector<16xf32>,
    %swap3A_835 = vector.shape_cast %swap3A_834 : vector<16xf32> to vector<16xf32>
    %swap3A_836 = vector.shape_cast %add3A_832 : vector<16xf32> to vector<16xf32>
    tpu.vector_store %arg10[%swap3A_833], %swap3A_836 {strides = array<i32>} : memref<512xf32, #tpu.memory_space<vmem>>, vector<16xf32>,
    %get3A_837 = arith.constant 0 : i32
    %get3A_838 = arith.index_cast %get3A_837 : i32 to index
    %get3A_839 = arith.constant 288 : index
    %get3A_840 = tpu.vector_load %arg9[%get3A_838, %get3A_839] {strides = array<i32>} : memref<4x512xf32, #tpu.memory_space<vmem>>, vector<1x16xf32>,
    %get3A_841 = vector.shape_cast %get3A_840 : vector<1x16xf32> to vector<16xf32>
    %get3A_842 = arith.constant 1 : i32
    %get3A_843 = arith.index_cast %get3A_842 : i32 to index
    %get3A_844 = arith.constant 288 : index
    %get3A_845 = tpu.vector_load %arg9[%get3A_843, %get3A_844] {strides = array<i32>} : memref<4x512xf32, #tpu.memory_space<vmem>>, vector<1x16xf32>,
    %get3A_846 = vector.shape_cast %get3A_845 : vector<1x16xf32> to vector<16xf32>
    %add3A_847 = arith.addf %get3A_841, %get3A_846 : vector<16xf32>
    %get3A_848 = arith.constant 2 : i32
    %get3A_849 = arith.index_cast %get3A_848 : i32 to index
    %get3A_850 = arith.constant 288 : index
    %get3A_851 = tpu.vector_load %arg9[%get3A_849, %get3A_850] {strides = array<i32>} : memref<4x512xf32, #tpu.memory_space<vmem>>, vector<1x16xf32>,
    %get3A_852 = vector.shape_cast %get3A_851 : vector<1x16xf32> to vector<16xf32>
    %get3A_853 = arith.constant 3 : i32
    %get3A_854 = arith.index_cast %get3A_853 : i32 to index
    %get3A_855 = arith.constant 288 : index
    %get3A_856 = tpu.vector_load %arg9[%get3A_854, %get3A_855] {strides = array<i32>} : memref<4x512xf32, #tpu.memory_space<vmem>>, vector<1x16xf32>,
    %get3A_857 = vector.shape_cast %get3A_856 : vector<1x16xf32> to vector<16xf32>
    %add3A_858 = arith.addf %get3A_852, %get3A_857 : vector<16xf32>
    %add3A_859 = arith.addf %add3A_847, %add3A_858 : vector<16xf32>
    %swap3A_860 = arith.constant 288 : index
    %swap3A_861 = tpu.vector_load %arg10[%swap3A_860] {strides = array<i32>} : memref<512xf32, #tpu.memory_space<vmem>>, vector<16xf32>,
    %swap3A_862 = vector.shape_cast %swap3A_861 : vector<16xf32> to vector<16xf32>
    %swap3A_863 = vector.shape_cast %add3A_859 : vector<16xf32> to vector<16xf32>
    tpu.vector_store %arg10[%swap3A_860], %swap3A_863 {strides = array<i32>} : memref<512xf32, #tpu.memory_space<vmem>>, vector<16xf32>,
    %get3A_864 = arith.constant 0 : i32
    %get3A_865 = arith.index_cast %get3A_864 : i32 to index
    %get3A_866 = arith.constant 304 : index
    %get3A_867 = tpu.vector_load %arg9[%get3A_865, %get3A_866] {strides = array<i32>} : memref<4x512xf32, #tpu.memory_space<vmem>>, vector<1x16xf32>,
    %get3A_868 = vector.shape_cast %get3A_867 : vector<1x16xf32> to vector<16xf32>
    %get3A_869 = arith.constant 1 : i32
    %get3A_870 = arith.index_cast %get3A_869 : i32 to index
    %get3A_871 = arith.constant 304 : index
    %get3A_872 = tpu.vector_load %arg9[%get3A_870, %get3A_871] {strides = array<i32>} : memref<4x512xf32, #tpu.memory_space<vmem>>, vector<1x16xf32>,
    %get3A_873 = vector.shape_cast %get3A_872 : vector<1x16xf32> to vector<16xf32>
    %add3A_874 = arith.addf %get3A_868, %get3A_873 : vector<16xf32>
    %get3A_875 = arith.constant 2 : i32
    %get3A_876 = arith.index_cast %get3A_875 : i32 to index
    %get3A_877 = arith.constant 304 : index
    %get3A_878 = tpu.vector_load %arg9[%get3A_876, %get3A_877] {strides = array<i32>} : memref<4x512xf32, #tpu.memory_space<vmem>>, vector<1x16xf32>,
    %get3A_879 = vector.shape_cast %get3A_878 : vector<1x16xf32> to vector<16xf32>
    %get3A_880 = arith.constant 3 : i32
    %get3A_881 = arith.index_cast %get3A_880 : i32 to index
    %get3A_882 = arith.constant 304 : index
    %get3A_883 = tpu.vector_load %arg9[%get3A_881, %get3A_882] {strides = array<i32>} : memref<4x512xf32, #tpu.memory_space<vmem>>, vector<1x16xf32>,
    %get3A_884 = vector.shape_cast %get3A_883 : vector<1x16xf32> to vector<16xf32>
    %add3A_885 = arith.addf %get3A_879, %get3A_884 : vector<16xf32>
    %add3A_886 = arith.addf %add3A_874, %add3A_885 : vector<16xf32>
    %swap3A_887 = arith.constant 304 : index
    %swap3A_888 = tpu.vector_load %arg10[%swap3A_887] {strides = array<i32>} : memref<512xf32, #tpu.memory_space<vmem>>, vector<16xf32>,
    %swap3A_889 = vector.shape_cast %swap3A_888 : vector<16xf32> to vector<16xf32>
    %swap3A_890 = vector.shape_cast %add3A_886 : vector<16xf32> to vector<16xf32>
    tpu.vector_store %arg10[%swap3A_887], %swap3A_890 {strides = array<i32>} : memref<512xf32, #tpu.memory_space<vmem>>, vector<16xf32>,
    %get3A_891 = arith.constant 0 : i32
    %get3A_892 = arith.index_cast %get3A_891 : i32 to index
    %get3A_893 = arith.constant 320 : index
    %get3A_894 = tpu.vector_load %arg9[%get3A_892, %get3A_893] {strides = array<i32>} : memref<4x512xf32, #tpu.memory_space<vmem>>, vector<1x16xf32>,
    %get3A_895 = vector.shape_cast %get3A_894 : vector<1x16xf32> to vector<16xf32>
    %get3A_896 = arith.constant 1 : i32
    %get3A_897 = arith.index_cast %get3A_896 : i32 to index
    %get3A_898 = arith.constant 320 : index
    %get3A_899 = tpu.vector_load %arg9[%get3A_897, %get3A_898] {strides = array<i32>} : memref<4x512xf32, #tpu.memory_space<vmem>>, vector<1x16xf32>,
    %get3A_900 = vector.shape_cast %get3A_899 : vector<1x16xf32> to vector<16xf32>
    %add3A_901 = arith.addf %get3A_895, %get3A_900 : vector<16xf32>
    %get3A_902 = arith.constant 2 : i32
    %get3A_903 = arith.index_cast %get3A_902 : i32 to index
    %get3A_904 = arith.constant 320 : index
    %get3A_905 = tpu.vector_load %arg9[%get3A_903, %get3A_904] {strides = array<i32>} : memref<4x512xf32, #tpu.memory_space<vmem>>, vector<1x16xf32>,
    %get3A_906 = vector.shape_cast %get3A_905 : vector<1x16xf32> to vector<16xf32>
    %get3A_907 = arith.constant 3 : i32
    %get3A_908 = arith.index_cast %get3A_907 : i32 to index
    %get3A_909 = arith.constant 320 : index
    %get3A_910 = tpu.vector_load %arg9[%get3A_908, %get3A_909] {strides = array<i32>} : memref<4x512xf32, #tpu.memory_space<vmem>>, vector<1x16xf32>,
    %get3A_911 = vector.shape_cast %get3A_910 : vector<1x16xf32> to vector<16xf32>
    %add3A_912 = arith.addf %get3A_906, %get3A_911 : vector<16xf32>
    %add3A_913 = arith.addf %add3A_901, %add3A_912 : vector<16xf32>
    %swap3A_914 = arith.constant 320 : index
    %swap3A_915 = tpu.vector_load %arg10[%swap3A_914] {strides = array<i32>} : memref<512xf32, #tpu.memory_space<vmem>>, vector<16xf32>,
    %swap3A_916 = vector.shape_cast %swap3A_915 : vector<16xf32> to vector<16xf32>
    %swap3A_917 = vector.shape_cast %add3A_913 : vector<16xf32> to vector<16xf32>
    tpu.vector_store %arg10[%swap3A_914], %swap3A_917 {strides = array<i32>} : memref<512xf32, #tpu.memory_space<vmem>>, vector<16xf32>,
    %get3A_918 = arith.constant 0 : i32
    %get3A_919 = arith.index_cast %get3A_918 : i32 to index
    %get3A_920 = arith.constant 336 : index
    %get3A_921 = tpu.vector_load %arg9[%get3A_919, %get3A_920] {strides = array<i32>} : memref<4x512xf32, #tpu.memory_space<vmem>>, vector<1x16xf32>,
    %get3A_922 = vector.shape_cast %get3A_921 : vector<1x16xf32> to vector<16xf32>
    %get3A_923 = arith.constant 1 : i32
    %get3A_924 = arith.index_cast %get3A_923 : i32 to index
    %get3A_925 = arith.constant 336 : index
    %get3A_926 = tpu.vector_load %arg9[%get3A_924, %get3A_925] {strides = array<i32>} : memref<4x512xf32, #tpu.memory_space<vmem>>, vector<1x16xf32>,
    %get3A_927 = vector.shape_cast %get3A_926 : vector<1x16xf32> to vector<16xf32>
    %add3A_928 = arith.addf %get3A_922, %get3A_927 : vector<16xf32>
    %get3A_929 = arith.constant 2 : i32
    %get3A_930 = arith.index_cast %get3A_929 : i32 to index
    %get3A_931 = arith.constant 336 : index
    %get3A_932 = tpu.vector_load %arg9[%get3A_930, %get3A_931] {strides = array<i32>} : memref<4x512xf32, #tpu.memory_space<vmem>>, vector<1x16xf32>,
    %get3A_933 = vector.shape_cast %get3A_932 : vector<1x16xf32> to vector<16xf32>
    %get3A_934 = arith.constant 3 : i32
    %get3A_935 = arith.index_cast %get3A_934 : i32 to index
    %get3A_936 = arith.constant 336 : index
    %get3A_937 = tpu.vector_load %arg9[%get3A_935, %get3A_936] {strides = array<i32>} : memref<4x512xf32, #tpu.memory_space<vmem>>, vector<1x16xf32>,
    %get3A_938 = vector.shape_cast %get3A_937 : vector<1x16xf32> to vector<16xf32>
    %add3A_939 = arith.addf %get3A_933, %get3A_938 : vector<16xf32>
    %add3A_940 = arith.addf %add3A_928, %add3A_939 : vector<16xf32>
    %swap3A_941 = arith.constant 336 : index
    %swap3A_942 = tpu.vector_load %arg10[%swap3A_941] {strides = array<i32>} : memref<512xf32, #tpu.memory_space<vmem>>, vector<16xf32>,
    %swap3A_943 = vector.shape_cast %swap3A_942 : vector<16xf32> to vector<16xf32>
    %swap3A_944 = vector.shape_cast %add3A_940 : vector<16xf32> to vector<16xf32>
    tpu.vector_store %arg10[%swap3A_941], %swap3A_944 {strides = array<i32>} : memref<512xf32, #tpu.memory_space<vmem>>, vector<16xf32>,
    %get3A_945 = arith.constant 0 : i32
    %get3A_946 = arith.index_cast %get3A_945 : i32 to index
    %get3A_947 = arith.constant 352 : index
    %get3A_948 = tpu.vector_load %arg9[%get3A_946, %get3A_947] {strides = array<i32>} : memref<4x512xf32, #tpu.memory_space<vmem>>, vector<1x16xf32>,
    %get3A_949 = vector.shape_cast %get3A_948 : vector<1x16xf32> to vector<16xf32>
    %get3A_950 = arith.constant 1 : i32
    %get3A_951 = arith.index_cast %get3A_950 : i32 to index
    %get3A_952 = arith.constant 352 : index
    %get3A_953 = tpu.vector_load %arg9[%get3A_951, %get3A_952] {strides = array<i32>} : memref<4x512xf32, #tpu.memory_space<vmem>>, vector<1x16xf32>,
    %get3A_954 = vector.shape_cast %get3A_953 : vector<1x16xf32> to vector<16xf32>
    %add3A_955 = arith.addf %get3A_949, %get3A_954 : vector<16xf32>
    %get3A_956 = arith.constant 2 : i32
    %get3A_957 = arith.index_cast %get3A_956 : i32 to index
    %get3A_958 = arith.constant 352 : index
    %get3A_959 = tpu.vector_load %arg9[%get3A_957, %get3A_958] {strides = array<i32>} : memref<4x512xf32, #tpu.memory_space<vmem>>, vector<1x16xf32>,
    %get3A_960 = vector.shape_cast %get3A_959 : vector<1x16xf32> to vector<16xf32>
    %get3A_961 = arith.constant 3 : i32
    %get3A_962 = arith.index_cast %get3A_961 : i32 to index
    %get3A_963 = arith.constant 352 : index
    %get3A_964 = tpu.vector_load %arg9[%get3A_962, %get3A_963] {strides = array<i32>} : memref<4x512xf32, #tpu.memory_space<vmem>>, vector<1x16xf32>,
    %get3A_965 = vector.shape_cast %get3A_964 : vector<1x16xf32> to vector<16xf32>
    %add3A_966 = arith.addf %get3A_960, %get3A_965 : vector<16xf32>
    %add3A_967 = arith.addf %add3A_955, %add3A_966 : vector<16xf32>
    %swap3A_968 = arith.constant 352 : index
    %swap3A_969 = tpu.vector_load %arg10[%swap3A_968] {strides = array<i32>} : memref<512xf32, #tpu.memory_space<vmem>>, vector<16xf32>,
    %swap3A_970 = vector.shape_cast %swap3A_969 : vector<16xf32> to vector<16xf32>
    %swap3A_971 = vector.shape_cast %add3A_967 : vector<16xf32> to vector<16xf32>
    tpu.vector_store %arg10[%swap3A_968], %swap3A_971 {strides = array<i32>} : memref<512xf32, #tpu.memory_space<vmem>>, vector<16xf32>,
    %get3A_972 = arith.constant 0 : i32
    %get3A_973 = arith.index_cast %get3A_972 : i32 to index
    %get3A_974 = arith.constant 368 : index
    %get3A_975 = tpu.vector_load %arg9[%get3A_973, %get3A_974] {strides = array<i32>} : memref<4x512xf32, #tpu.memory_space<vmem>>, vector<1x16xf32>,
    %get3A_976 = vector.shape_cast %get3A_975 : vector<1x16xf32> to vector<16xf32>
    %get3A_977 = arith.constant 1 : i32
    %get3A_978 = arith.index_cast %get3A_977 : i32 to index
    %get3A_979 = arith.constant 368 : index
    %get3A_980 = tpu.vector_load %arg9[%get3A_978, %get3A_979] {strides = array<i32>} : memref<4x512xf32, #tpu.memory_space<vmem>>, vector<1x16xf32>,
    %get3A_981 = vector.shape_cast %get3A_980 : vector<1x16xf32> to vector<16xf32>
    %add3A_982 = arith.addf %get3A_976, %get3A_981 : vector<16xf32>
    %get3A_983 = arith.constant 2 : i32
    %get3A_984 = arith.index_cast %get3A_983 : i32 to index
    %get3A_985 = arith.constant 368 : index
    %get3A_986 = tpu.vector_load %arg9[%get3A_984, %get3A_985] {strides = array<i32>} : memref<4x512xf32, #tpu.memory_space<vmem>>, vector<1x16xf32>,
    %get3A_987 = vector.shape_cast %get3A_986 : vector<1x16xf32> to vector<16xf32>
    %get3A_988 = arith.constant 3 : i32
    %get3A_989 = arith.index_cast %get3A_988 : i32 to index
    %get3A_990 = arith.constant 368 : index
    %get3A_991 = tpu.vector_load %arg9[%get3A_989, %get3A_990] {strides = array<i32>} : memref<4x512xf32, #tpu.memory_space<vmem>>, vector<1x16xf32>,
    %get3A_992 = vector.shape_cast %get3A_991 : vector<1x16xf32> to vector<16xf32>
    %add3A_993 = arith.addf %get3A_987, %get3A_992 : vector<16xf32>
    %add3A_994 = arith.addf %add3A_982, %add3A_993 : vector<16xf32>
    %swap3A_995 = arith.constant 368 : index
    %swap3A_996 = tpu.vector_load %arg10[%swap3A_995] {strides = array<i32>} : memref<512xf32, #tpu.memory_space<vmem>>, vector<16xf32>,
    %swap3A_997 = vector.shape_cast %swap3A_996 : vector<16xf32> to vector<16xf32>
    %swap3A_998 = vector.shape_cast %add3A_994 : vector<16xf32> to vector<16xf32>
    tpu.vector_store %arg10[%swap3A_995], %swap3A_998 {strides = array<i32>} : memref<512xf32, #tpu.memory_space<vmem>>, vector<16xf32>,
    %get3A_999 = arith.constant 0 : i32
    %get3A_1000 = arith.index_cast %get3A_999 : i32 to index
    %get3A_1001 = arith.constant 384 : index
    %get3A_1002 = tpu.vector_load %arg9[%get3A_1000, %get3A_1001] {strides = array<i32>} : memref<4x512xf32, #tpu.memory_space<vmem>>, vector<1x16xf32>,
    %get3A_1003 = vector.shape_cast %get3A_1002 : vector<1x16xf32> to vector<16xf32>
    %get3A_1004 = arith.constant 1 : i32
    %get3A_1005 = arith.index_cast %get3A_1004 : i32 to index
    %get3A_1006 = arith.constant 384 : index
    %get3A_1007 = tpu.vector_load %arg9[%get3A_1005, %get3A_1006] {strides = array<i32>} : memref<4x512xf32, #tpu.memory_space<vmem>>, vector<1x16xf32>,
    %get3A_1008 = vector.shape_cast %get3A_1007 : vector<1x16xf32> to vector<16xf32>
    %add3A_1009 = arith.addf %get3A_1003, %get3A_1008 : vector<16xf32>
    %get3A_1010 = arith.constant 2 : i32
    %get3A_1011 = arith.index_cast %get3A_1010 : i32 to index
    %get3A_1012 = arith.constant 384 : index
    %get3A_1013 = tpu.vector_load %arg9[%get3A_1011, %get3A_1012] {strides = array<i32>} : memref<4x512xf32, #tpu.memory_space<vmem>>, vector<1x16xf32>,
    %get3A_1014 = vector.shape_cast %get3A_1013 : vector<1x16xf32> to vector<16xf32>
    %get3A_1015 = arith.constant 3 : i32
    %get3A_1016 = arith.index_cast %get3A_1015 : i32 to index
    %get3A_1017 = arith.constant 384 : index
    %get3A_1018 = tpu.vector_load %arg9[%get3A_1016, %get3A_1017] {strides = array<i32>} : memref<4x512xf32, #tpu.memory_space<vmem>>, vector<1x16xf32>,
    %get3A_1019 = vector.shape_cast %get3A_1018 : vector<1x16xf32> to vector<16xf32>
    %add3A_1020 = arith.addf %get3A_1014, %get3A_1019 : vector<16xf32>
    %add3A_1021 = arith.addf %add3A_1009, %add3A_1020 : vector<16xf32>
    %swap3A_1022 = arith.constant 384 : index
    %swap3A_1023 = tpu.vector_load %arg10[%swap3A_1022] {strides = array<i32>} : memref<512xf32, #tpu.memory_space<vmem>>, vector<16xf32>,
    %swap3A_1024 = vector.shape_cast %swap3A_1023 : vector<16xf32> to vector<16xf32>
    %swap3A_1025 = vector.shape_cast %add3A_1021 : vector<16xf32> to vector<16xf32>
    tpu.vector_store %arg10[%swap3A_1022], %swap3A_1025 {strides = array<i32>} : memref<512xf32, #tpu.memory_space<vmem>>, vector<16xf32>,
    %get3A_1026 = arith.constant 0 : i32
    %get3A_1027 = arith.index_cast %get3A_1026 : i32 to index
    %get3A_1028 = arith.constant 400 : index
    %get3A_1029 = tpu.vector_load %arg9[%get3A_1027, %get3A_1028] {strides = array<i32>} : memref<4x512xf32, #tpu.memory_space<vmem>>, vector<1x16xf32>,
    %get3A_1030 = vector.shape_cast %get3A_1029 : vector<1x16xf32> to vector<16xf32>
    %get3A_1031 = arith.constant 1 : i32
    %get3A_1032 = arith.index_cast %get3A_1031 : i32 to index
    %get3A_1033 = arith.constant 400 : index
    %get3A_1034 = tpu.vector_load %arg9[%get3A_1032, %get3A_1033] {strides = array<i32>} : memref<4x512xf32, #tpu.memory_space<vmem>>, vector<1x16xf32>,
    %get3A_1035 = vector.shape_cast %get3A_1034 : vector<1x16xf32> to vector<16xf32>
    %add3A_1036 = arith.addf %get3A_1030, %get3A_1035 : vector<16xf32>
    %get3A_1037 = arith.constant 2 : i32
    %get3A_1038 = arith.index_cast %get3A_1037 : i32 to index
    %get3A_1039 = arith.constant 400 : index
    %get3A_1040 = tpu.vector_load %arg9[%get3A_1038, %get3A_1039] {strides = array<i32>} : memref<4x512xf32, #tpu.memory_space<vmem>>, vector<1x16xf32>,
    %get3A_1041 = vector.shape_cast %get3A_1040 : vector<1x16xf32> to vector<16xf32>
    %get3A_1042 = arith.constant 3 : i32
    %get3A_1043 = arith.index_cast %get3A_1042 : i32 to index
    %get3A_1044 = arith.constant 400 : index
    %get3A_1045 = tpu.vector_load %arg9[%get3A_1043, %get3A_1044] {strides = array<i32>} : memref<4x512xf32, #tpu.memory_space<vmem>>, vector<1x16xf32>,
    %get3A_1046 = vector.shape_cast %get3A_1045 : vector<1x16xf32> to vector<16xf32>
    %add3A_1047 = arith.addf %get3A_1041, %get3A_1046 : vector<16xf32>
    %add3A_1048 = arith.addf %add3A_1036, %add3A_1047 : vector<16xf32>
    %swap3A_1049 = arith.constant 400 : index
    %swap3A_1050 = tpu.vector_load %arg10[%swap3A_1049] {strides = array<i32>} : memref<512xf32, #tpu.memory_space<vmem>>, vector<16xf32>,
    %swap3A_1051 = vector.shape_cast %swap3A_1050 : vector<16xf32> to vector<16xf32>
    %swap3A_1052 = vector.shape_cast %add3A_1048 : vector<16xf32> to vector<16xf32>
    tpu.vector_store %arg10[%swap3A_1049], %swap3A_1052 {strides = array<i32>} : memref<512xf32, #tpu.memory_space<vmem>>, vector<16xf32>,
    %get3A_1053 = arith.constant 0 : i32
    %get3A_1054 = arith.index_cast %get3A_1053 : i32 to index
    %get3A_1055 = arith.constant 416 : index
    %get3A_1056 = tpu.vector_load %arg9[%get3A_1054, %get3A_1055] {strides = array<i32>} : memref<4x512xf32, #tpu.memory_space<vmem>>, vector<1x16xf32>,
    %get3A_1057 = vector.shape_cast %get3A_1056 : vector<1x16xf32> to vector<16xf32>
    %get3A_1058 = arith.constant 1 : i32
    %get3A_1059 = arith.index_cast %get3A_1058 : i32 to index
    %get3A_1060 = arith.constant 416 : index
    %get3A_1061 = tpu.vector_load %arg9[%get3A_1059, %get3A_1060] {strides = array<i32>} : memref<4x512xf32, #tpu.memory_space<vmem>>, vector<1x16xf32>,
    %get3A_1062 = vector.shape_cast %get3A_1061 : vector<1x16xf32> to vector<16xf32>
    %add3A_1063 = arith.addf %get3A_1057, %get3A_1062 : vector<16xf32>
    %get3A_1064 = arith.constant 2 : i32
    %get3A_1065 = arith.index_cast %get3A_1064 : i32 to index
    %get3A_1066 = arith.constant 416 : index
    %get3A_1067 = tpu.vector_load %arg9[%get3A_1065, %get3A_1066] {strides = array<i32>} : memref<4x512xf32, #tpu.memory_space<vmem>>, vector<1x16xf32>,
    %get3A_1068 = vector.shape_cast %get3A_1067 : vector<1x16xf32> to vector<16xf32>
    %get3A_1069 = arith.constant 3 : i32
    %get3A_1070 = arith.index_cast %get3A_1069 : i32 to index
    %get3A_1071 = arith.constant 416 : index
    %get3A_1072 = tpu.vector_load %arg9[%get3A_1070, %get3A_1071] {strides = array<i32>} : memref<4x512xf32, #tpu.memory_space<vmem>>, vector<1x16xf32>,
    %get3A_1073 = vector.shape_cast %get3A_1072 : vector<1x16xf32> to vector<16xf32>
    %add3A_1074 = arith.addf %get3A_1068, %get3A_1073 : vector<16xf32>
    %add3A_1075 = arith.addf %add3A_1063, %add3A_1074 : vector<16xf32>
    %swap3A_1076 = arith.constant 416 : index
    %swap3A_1077 = tpu.vector_load %arg10[%swap3A_1076] {strides = array<i32>} : memref<512xf32, #tpu.memory_space<vmem>>, vector<16xf32>,
    %swap3A_1078 = vector.shape_cast %swap3A_1077 : vector<16xf32> to vector<16xf32>
    %swap3A_1079 = vector.shape_cast %add3A_1075 : vector<16xf32> to vector<16xf32>
    tpu.vector_store %arg10[%swap3A_1076], %swap3A_1079 {strides = array<i32>} : memref<512xf32, #tpu.memory_space<vmem>>, vector<16xf32>,
    %get3A_1080 = arith.constant 0 : i32
    %get3A_1081 = arith.index_cast %get3A_1080 : i32 to index
    %get3A_1082 = arith.constant 432 : index
    %get3A_1083 = tpu.vector_load %arg9[%get3A_1081, %get3A_1082] {strides = array<i32>} : memref<4x512xf32, #tpu.memory_space<vmem>>, vector<1x16xf32>,
    %get3A_1084 = vector.shape_cast %get3A_1083 : vector<1x16xf32> to vector<16xf32>
    %get3A_1085 = arith.constant 1 : i32
    %get3A_1086 = arith.index_cast %get3A_1085 : i32 to index
    %get3A_1087 = arith.constant 432 : index
    %get3A_1088 = tpu.vector_load %arg9[%get3A_1086, %get3A_1087] {strides = array<i32>} : memref<4x512xf32, #tpu.memory_space<vmem>>, vector<1x16xf32>,
    %get3A_1089 = vector.shape_cast %get3A_1088 : vector<1x16xf32> to vector<16xf32>
    %add3A_1090 = arith.addf %get3A_1084, %get3A_1089 : vector<16xf32>
    %get3A_1091 = arith.constant 2 : i32
    %get3A_1092 = arith.index_cast %get3A_1091 : i32 to index
    %get3A_1093 = arith.constant 432 : index
    %get3A_1094 = tpu.vector_load %arg9[%get3A_1092, %get3A_1093] {strides = array<i32>} : memref<4x512xf32, #tpu.memory_space<vmem>>, vector<1x16xf32>,
    %get3A_1095 = vector.shape_cast %get3A_1094 : vector<1x16xf32> to vector<16xf32>
    %get3A_1096 = arith.constant 3 : i32
    %get3A_1097 = arith.index_cast %get3A_1096 : i32 to index
    %get3A_1098 = arith.constant 432 : index
    %get3A_1099 = tpu.vector_load %arg9[%get3A_1097, %get3A_1098] {strides = array<i32>} : memref<4x512xf32, #tpu.memory_space<vmem>>, vector<1x16xf32>,
    %get3A_1100 = vector.shape_cast %get3A_1099 : vector<1x16xf32> to vector<16xf32>
    %add3A_1101 = arith.addf %get3A_1095, %get3A_1100 : vector<16xf32>
    %add3A_1102 = arith.addf %add3A_1090, %add3A_1101 : vector<16xf32>
    %swap3A_1103 = arith.constant 432 : index
    %swap3A_1104 = tpu.vector_load %arg10[%swap3A_1103] {strides = array<i32>} : memref<512xf32, #tpu.memory_space<vmem>>, vector<16xf32>,
    %swap3A_1105 = vector.shape_cast %swap3A_1104 : vector<16xf32> to vector<16xf32>
    %swap3A_1106 = vector.shape_cast %add3A_1102 : vector<16xf32> to vector<16xf32>
    tpu.vector_store %arg10[%swap3A_1103], %swap3A_1106 {strides = array<i32>} : memref<512xf32, #tpu.memory_space<vmem>>, vector<16xf32>,
    %get3A_1107 = arith.constant 0 : i32
    %get3A_1108 = arith.index_cast %get3A_1107 : i32 to index
    %get3A_1109 = arith.constant 448 : index
    %get3A_1110 = tpu.vector_load %arg9[%get3A_1108, %get3A_1109] {strides = array<i32>} : memref<4x512xf32, #tpu.memory_space<vmem>>, vector<1x16xf32>,
    %get3A_1111 = vector.shape_cast %get3A_1110 : vector<1x16xf32> to vector<16xf32>
    %get3A_1112 = arith.constant 1 : i32
    %get3A_1113 = arith.index_cast %get3A_1112 : i32 to index
    %get3A_1114 = arith.constant 448 : index
    %get3A_1115 = tpu.vector_load %arg9[%get3A_1113, %get3A_1114] {strides = array<i32>} : memref<4x512xf32, #tpu.memory_space<vmem>>, vector<1x16xf32>,
    %get3A_1116 = vector.shape_cast %get3A_1115 : vector<1x16xf32> to vector<16xf32>
    %add3A_1117 = arith.addf %get3A_1111, %get3A_1116 : vector<16xf32>
    %get3A_1118 = arith.constant 2 : i32
    %get3A_1119 = arith.index_cast %get3A_1118 : i32 to index
    %get3A_1120 = arith.constant 448 : index
    %get3A_1121 = tpu.vector_load %arg9[%get3A_1119, %get3A_1120] {strides = array<i32>} : memref<4x512xf32, #tpu.memory_space<vmem>>, vector<1x16xf32>,
    %get3A_1122 = vector.shape_cast %get3A_1121 : vector<1x16xf32> to vector<16xf32>
    %get3A_1123 = arith.constant 3 : i32
    %get3A_1124 = arith.index_cast %get3A_1123 : i32 to index
    %get3A_1125 = arith.constant 448 : index
    %get3A_1126 = tpu.vector_load %arg9[%get3A_1124, %get3A_1125] {strides = array<i32>} : memref<4x512xf32, #tpu.memory_space<vmem>>, vector<1x16xf32>,
    %get3A_1127 = vector.shape_cast %get3A_1126 : vector<1x16xf32> to vector<16xf32>
    %add3A_1128 = arith.addf %get3A_1122, %get3A_1127 : vector<16xf32>
    %add3A_1129 = arith.addf %add3A_1117, %add3A_1128 : vector<16xf32>
    %swap3A_1130 = arith.constant 448 : index
    %swap3A_1131 = tpu.vector_load %arg10[%swap3A_1130] {strides = array<i32>} : memref<512xf32, #tpu.memory_space<vmem>>, vector<16xf32>,
    %swap3A_1132 = vector.shape_cast %swap3A_1131 : vector<16xf32> to vector<16xf32>
    %swap3A_1133 = vector.shape_cast %add3A_1129 : vector<16xf32> to vector<16xf32>
    tpu.vector_store %arg10[%swap3A_1130], %swap3A_1133 {strides = array<i32>} : memref<512xf32, #tpu.memory_space<vmem>>, vector<16xf32>,
    %get3A_1134 = arith.constant 0 : i32
    %get3A_1135 = arith.index_cast %get3A_1134 : i32 to index
    %get3A_1136 = arith.constant 464 : index
    %get3A_1137 = tpu.vector_load %arg9[%get3A_1135, %get3A_1136] {strides = array<i32>} : memref<4x512xf32, #tpu.memory_space<vmem>>, vector<1x16xf32>,
    %get3A_1138 = vector.shape_cast %get3A_1137 : vector<1x16xf32> to vector<16xf32>
    %get3A_1139 = arith.constant 1 : i32
    %get3A_1140 = arith.index_cast %get3A_1139 : i32 to index
    %get3A_1141 = arith.constant 464 : index
    %get3A_1142 = tpu.vector_load %arg9[%get3A_1140, %get3A_1141] {strides = array<i32>} : memref<4x512xf32, #tpu.memory_space<vmem>>, vector<1x16xf32>,
    %get3A_1143 = vector.shape_cast %get3A_1142 : vector<1x16xf32> to vector<16xf32>
    %add3A_1144 = arith.addf %get3A_1138, %get3A_1143 : vector<16xf32>
    %get3A_1145 = arith.constant 2 : i32
    %get3A_1146 = arith.index_cast %get3A_1145 : i32 to index
    %get3A_1147 = arith.constant 464 : index
    %get3A_1148 = tpu.vector_load %arg9[%get3A_1146, %get3A_1147] {strides = array<i32>} : memref<4x512xf32, #tpu.memory_space<vmem>>, vector<1x16xf32>,
    %get3A_1149 = vector.shape_cast %get3A_1148 : vector<1x16xf32> to vector<16xf32>
    %get3A_1150 = arith.constant 3 : i32
    %get3A_1151 = arith.index_cast %get3A_1150 : i32 to index
    %get3A_1152 = arith.constant 464 : index
    %get3A_1153 = tpu.vector_load %arg9[%get3A_1151, %get3A_1152] {strides = array<i32>} : memref<4x512xf32, #tpu.memory_space<vmem>>, vector<1x16xf32>,
    %get3A_1154 = vector.shape_cast %get3A_1153 : vector<1x16xf32> to vector<16xf32>
    %add3A_1155 = arith.addf %get3A_1149, %get3A_1154 : vector<16xf32>
    %add3A_1156 = arith.addf %add3A_1144, %add3A_1155 : vector<16xf32>
    %swap3A_1157 = arith.constant 464 : index
    %swap3A_1158 = tpu.vector_load %arg10[%swap3A_1157] {strides = array<i32>} : memref<512xf32, #tpu.memory_space<vmem>>, vector<16xf32>,
    %swap3A_1159 = vector.shape_cast %swap3A_1158 : vector<16xf32> to vector<16xf32>
    %swap3A_1160 = vector.shape_cast %add3A_1156 : vector<16xf32> to vector<16xf32>
    tpu.vector_store %arg10[%swap3A_1157], %swap3A_1160 {strides = array<i32>} : memref<512xf32, #tpu.memory_space<vmem>>, vector<16xf32>,
    %get3A_1161 = arith.constant 0 : i32
    %get3A_1162 = arith.index_cast %get3A_1161 : i32 to index
    %get3A_1163 = arith.constant 480 : index
    %get3A_1164 = tpu.vector_load %arg9[%get3A_1162, %get3A_1163] {strides = array<i32>} : memref<4x512xf32, #tpu.memory_space<vmem>>, vector<1x16xf32>,
    %get3A_1165 = vector.shape_cast %get3A_1164 : vector<1x16xf32> to vector<16xf32>
    %get3A_1166 = arith.constant 1 : i32
    %get3A_1167 = arith.index_cast %get3A_1166 : i32 to index
    %get3A_1168 = arith.constant 480 : index
    %get3A_1169 = tpu.vector_load %arg9[%get3A_1167, %get3A_1168] {strides = array<i32>} : memref<4x512xf32, #tpu.memory_space<vmem>>, vector<1x16xf32>,
    %get3A_1170 = vector.shape_cast %get3A_1169 : vector<1x16xf32> to vector<16xf32>
    %add3A_1171 = arith.addf %get3A_1165, %get3A_1170 : vector<16xf32>
    %get3A_1172 = arith.constant 2 : i32
    %get3A_1173 = arith.index_cast %get3A_1172 : i32 to index
    %get3A_1174 = arith.constant 480 : index
    %get3A_1175 = tpu.vector_load %arg9[%get3A_1173, %get3A_1174] {strides = array<i32>} : memref<4x512xf32, #tpu.memory_space<vmem>>, vector<1x16xf32>,
    %get3A_1176 = vector.shape_cast %get3A_1175 : vector<1x16xf32> to vector<16xf32>
    %get3A_1177 = arith.constant 3 : i32
    %get3A_1178 = arith.index_cast %get3A_1177 : i32 to index
    %get3A_1179 = arith.constant 480 : index
    %get3A_1180 = tpu.vector_load %arg9[%get3A_1178, %get3A_1179] {strides = array<i32>} : memref<4x512xf32, #tpu.memory_space<vmem>>, vector<1x16xf32>,
    %get3A_1181 = vector.shape_cast %get3A_1180 : vector<1x16xf32> to vector<16xf32>
    %add3A_1182 = arith.addf %get3A_1176, %get3A_1181 : vector<16xf32>
    %add3A_1183 = arith.addf %add3A_1171, %add3A_1182 : vector<16xf32>
    %swap3A_1184 = arith.constant 480 : index
    %swap3A_1185 = tpu.vector_load %arg10[%swap3A_1184] {strides = array<i32>} : memref<512xf32, #tpu.memory_space<vmem>>, vector<16xf32>,
    %swap3A_1186 = vector.shape_cast %swap3A_1185 : vector<16xf32> to vector<16xf32>
    %swap3A_1187 = vector.shape_cast %add3A_1183 : vector<16xf32> to vector<16xf32>
    tpu.vector_store %arg10[%swap3A_1184], %swap3A_1187 {strides = array<i32>} : memref<512xf32, #tpu.memory_space<vmem>>, vector<16xf32>,
    %get3A_1188 = arith.constant 0 : i32
    %get3A_1189 = arith.index_cast %get3A_1188 : i32 to index
    %get3A_1190 = arith.constant 496 : index
    %get3A_1191 = tpu.vector_load %arg9[%get3A_1189, %get3A_1190] {strides = array<i32>} : memref<4x512xf32, #tpu.memory_space<vmem>>, vector<1x16xf32>,
    %get3A_1192 = vector.shape_cast %get3A_1191 : vector<1x16xf32> to vector<16xf32>
    %get3A_1193 = arith.constant 1 : i32
    %get3A_1194 = arith.index_cast %get3A_1193 : i32 to index
    %get3A_1195 = arith.constant 496 : index
    %get3A_1196 = tpu.vector_load %arg9[%get3A_1194, %get3A_1195] {strides = array<i32>} : memref<4x512xf32, #tpu.memory_space<vmem>>, vector<1x16xf32>,
    %get3A_1197 = vector.shape_cast %get3A_1196 : vector<1x16xf32> to vector<16xf32>
    %add3A_1198 = arith.addf %get3A_1192, %get3A_1197 : vector<16xf32>
    %get3A_1199 = arith.constant 2 : i32
    %get3A_1200 = arith.index_cast %get3A_1199 : i32 to index
    %get3A_1201 = arith.constant 496 : index
    %get3A_1202 = tpu.vector_load %arg9[%get3A_1200, %get3A_1201] {strides = array<i32>} : memref<4x512xf32, #tpu.memory_space<vmem>>, vector<1x16xf32>,
    %get3A_1203 = vector.shape_cast %get3A_1202 : vector<1x16xf32> to vector<16xf32>
    %get3A_1204 = arith.constant 3 : i32
    %get3A_1205 = arith.index_cast %get3A_1204 : i32 to index
    %get3A_1206 = arith.constant 496 : index
    %get3A_1207 = tpu.vector_load %arg9[%get3A_1205, %get3A_1206] {strides = array<i32>} : memref<4x512xf32, #tpu.memory_space<vmem>>, vector<1x16xf32>,
    %get3A_1208 = vector.shape_cast %get3A_1207 : vector<1x16xf32> to vector<16xf32>
    %add3A_1209 = arith.addf %get3A_1203, %get3A_1208 : vector<16xf32>
    %add3A_1210 = arith.addf %add3A_1198, %add3A_1209 : vector<16xf32>
    %swap3A_1211 = arith.constant 496 : index
    %swap3A_1212 = tpu.vector_load %arg10[%swap3A_1211] {strides = array<i32>} : memref<512xf32, #tpu.memory_space<vmem>>, vector<16xf32>,
    %swap3A_1213 = vector.shape_cast %swap3A_1212 : vector<16xf32> to vector<16xf32>
    %swap3A_1214 = vector.shape_cast %add3A_1210 : vector<16xf32> to vector<16xf32>
    tpu.vector_store %arg10[%swap3A_1211], %swap3A_1214 {strides = array<i32>} : memref<512xf32, #tpu.memory_space<vmem>>, vector<16xf32>,
    "tpu.region"() ({
      %run_scoped3A = tpu.sem_alloc : memref<!tpu.dma_semaphore, #tpu.memory_space<semaphore_mem>>
      %dma_start3A_1215 = tpu.memref_slice %arg7[%mul3A_2] : memref<16384xf32, #tpu.memory_space<hbm>> -> memref<512xf32, #tpu.memory_space<hbm>>
      %dma_start3A_1216 = tpu.memref_slice %arg7[%mul3A_2] : memref<16384xf32, #tpu.memory_space<hbm>> -> memref<512xf32, #tpu.memory_space<hbm>>
      tpu.enqueue_dma source(%arg10 : memref<512xf32, #tpu.memory_space<vmem>>) target(%dma_start3A_1216 : memref<512xf32, #tpu.memory_space<hbm>>) target_semaphore(%run_scoped3A : memref<!tpu.dma_semaphore, #tpu.memory_space<semaphore_mem>>)
      %dma_wait3A_1217 = tpu.memref_slice %arg7[%mul3A_2] : memref<16384xf32, #tpu.memory_space<hbm>> -> memref<512xf32, #tpu.memory_space<hbm>>
      %dma_wait3A_1218 = tpu.memref_slice %arg7[%mul3A_2] : memref<16384xf32, #tpu.memory_space<hbm>> -> memref<512xf32, #tpu.memory_space<hbm>>
      tpu.wait_dma2 semaphore(%run_scoped3A : memref<!tpu.dma_semaphore, #tpu.memory_space<semaphore_mem>>) src(%arg10 : memref<512xf32, #tpu.memory_space<vmem>>) dst(%dma_wait3A_1218 : memref<512xf32, #tpu.memory_space<hbm>>)
      tpu.yield
    }) : () -> ()
    return
  }
}

module attributes {stable_mosaic.version = 14 : i64} {
  func.func @_tc_lse_body(%arg0: i32, %arg1: memref<4096xf32, #tpu.memory_space<vmem>>, %arg2: memref<256x4096xf32, #tpu.memory_space<vmem>>, %arg3: memref<256x4096xf32, #tpu.memory_space<vmem>>, %arg4: memref<256xf32, #tpu.memory_space<vmem>>, %arg5: memref<256xf32, #tpu.memory_space<vmem>>) attributes {dimension_semantics = [#tpu.dimension_semantics<arbitrary>], iteration_bounds = array<i64: 16>, scalar_prefetch = 0 : i64, scratch_operands = 0 : i64, tpu.core_type = #tpu.core_type<tc>, window_params = [{pipeline_mode = #tpu.pipeline_mode<synchronous>, transform_indices = @transform_0, window_bounds = array<i64: 4096>}, {transform_indices = @transform_1, window_bounds = array<i64: 256, 4096>}, {transform_indices = @transform_2, window_bounds = array<i64: 256, 4096>}, {transform_indices = @transform_3, window_bounds = array<i64: 256>}, {transform_indices = @transform_4, window_bounds = array<i64: 256>}]} {
    %get3A = arith.constant 0 : index
    %get3A_0 = vector.load %arg1[%get3A] : memref<4096xf32, #tpu.memory_space<vmem>>, vector<4096xf32>
    %reduce_max3A = vector.shape_cast %get3A_0 : vector<4096xf32> to vector<1x4096xf32>
    %reduce_max3A_1 = arith.constant dense<0xFF800000> : vector<1xf32>
    %reduce_max3A_2 = vector.multi_reduction <maximumf>, %reduce_max3A, %reduce_max3A_1 [1] : vector<1x4096xf32> to vector<1xf32>
    %reduce_max3A_3 = vector.shape_cast %reduce_max3A_2 : vector<1xf32> to vector<1x1xf32>
    %reduce_max3A_4 = vector.extract %reduce_max3A_3[0, 0] : f32 from vector<1x1xf32>
    %sub3A = vector.broadcast %reduce_max3A_4 : f32 to vector<4096xf32>
    %sub3A_5 = arith.subf %get3A_0, %sub3A : vector<4096xf32>
    %exp3A = math.exp %sub3A_5 : vector<4096xf32>
    %reduce_sum3A = vector.shape_cast %exp3A : vector<4096xf32> to vector<1x4096xf32>
    %reduce_sum3A_6 = arith.constant dense<0.000000e+00> : vector<1xf32>
    %reduce_sum3A_7 = vector.multi_reduction <add>, %reduce_sum3A, %reduce_sum3A_6 [1] : vector<1x4096xf32> to vector<1xf32>
    %reduce_sum3A_8 = vector.shape_cast %reduce_sum3A_7 : vector<1xf32> to vector<1x1xf32>
    %reduce_sum3A_9 = vector.extract %reduce_sum3A_8[0, 0] : f32 from vector<1x1xf32>
    %log3A = math.log %reduce_sum3A_9 : f32
    %add3A = arith.addf %log3A, %reduce_max3A_4 : f32
    %get3A_10 = arith.constant 0 : index
    %get3A_11 = arith.constant 0 : index
    %get3A_12 = vector.load %arg2[%get3A_10, %get3A_11] : memref<256x4096xf32, #tpu.memory_space<vmem>>, vector<256x4096xf32>
    %exp3A_13 = math.exp %get3A_12 : vector<256x4096xf32>
    %reduce_sum3A_14 = arith.constant dense<0.000000e+00> : vector<256xf32>
    %reduce_sum3A_15 = vector.multi_reduction <add>, %exp3A_13, %reduce_sum3A_14 [1] : vector<256x4096xf32> to vector<256xf32>
    %log3A_16 = math.log %reduce_sum3A_15 : vector<256xf32>
    %get3A_17 = arith.constant 0 : index
    %get3A_18 = arith.constant 0 : index
    %get3A_19 = vector.load %arg3[%get3A_17, %get3A_18] : memref<256x4096xf32, #tpu.memory_space<vmem>>, vector<256x4096xf32>
    %exp3A_20 = math.exp %get3A_19 : vector<256x4096xf32>
    %reduce_sum3A_21 = arith.constant dense<0.000000e+00> : vector<256xf32>
    %reduce_sum3A_22 = vector.multi_reduction <add>, %exp3A_20, %reduce_sum3A_21 [1] : vector<256x4096xf32> to vector<256xf32>
    %log3A_23 = math.log %reduce_sum3A_22 : vector<256xf32>
    %mul3A = arith.constant 256 : i32
    %mul3A_24 = arith.muli %arg0, %mul3A : i32
    %get3A_25 = arith.index_cast %mul3A_24 : i32 to index
    %get3A_26 = vector.load %arg1[%get3A_25] : memref<4096xf32, #tpu.memory_space<vmem>>, vector<256xf32>
    %sub3A_27 = vector.broadcast %add3A : f32 to vector<256xf32>
    %sub3A_28 = arith.subf %get3A_26, %sub3A_27 : vector<256xf32>
    %sub3A_29 = arith.subf %sub3A_28, %log3A_16 : vector<256xf32>
    %swap3A = arith.constant 0 : index
    %swap3A_30 = vector.load %arg4[%swap3A] : memref<256xf32, #tpu.memory_space<vmem>>, vector<256xf32>
    tpu.vector_store %arg4[%swap3A], %sub3A_29 {strides = array<i32>} : memref<256xf32, #tpu.memory_space<vmem>>, vector<256xf32>,
    %neg3A = arith.constant 0.000000e+00 : f32
    %neg3A_31 = vector.broadcast %neg3A : f32 to vector<256xf32>
    %neg3A_32 = arith.subf %neg3A_31, %log3A_23 : vector<256xf32>
    %swap3A_33 = arith.constant 0 : index
    %swap3A_34 = vector.load %arg5[%swap3A_33] : memref<256xf32, #tpu.memory_space<vmem>>, vector<256xf32>
    tpu.vector_store %arg5[%swap3A_33], %neg3A_32 {strides = array<i32>} : memref<256xf32, #tpu.memory_space<vmem>>, vector<256xf32>,
    return
  }
  func.func @transform_0(%arg0: i32) -> i32 {
    %c0_i32 = arith.constant 0 : i32
    %c0_i32_0 = arith.constant 0 : i32
    return %c0_i32 : i32
  }
  func.func @transform_1(%arg0: i32) -> (i32, i32) {
    %c0_i32 = arith.constant 0 : i32
    %c0_i32_0 = arith.constant 0 : i32
    return %arg0, %c0_i32 : i32, i32
  }
  func.func @transform_2(%arg0: i32) -> (i32, i32) {
    %c0_i32 = arith.constant 0 : i32
    %c0_i32_0 = arith.constant 0 : i32
    return %arg0, %c0_i32 : i32, i32
  }
  func.func @transform_3(%arg0: i32) -> i32 {
    %c0_i32 = arith.constant 0 : i32
    return %arg0 : i32
  }
  func.func @transform_4(%arg0: i32) -> i32 {
    %c0_i32 = arith.constant 0 : i32
    return %arg0 : i32
  }
}

</mosaic_0001>

<sc_bundles>
// kernel: kernel.4.cloned.1.call-start
scs
__scs_entry_jumppad:
0x0: {  	(pc) =	sbr.rel $0x88, $3  }
0x1: {  	(tag) =	ssettag $0x0;
	lr =	simm.s32 $0x1  }
0x2: {  	[smem:$0x3F9D] =	sst lr;
	_ =	strace $0xD0000000  }
0x3: {  	_ = 	snop  }
0x4: {  	_ = 	snop  }
0x5: {  	_ = 	snop  }
0x6: {  	_ = 	snop  }
0x7: {  	_ = 	snop  }
__scs_overlays_trampoline_lowered:
0x8: {  	[smem:$0x3FAC] =	sst s0  }
0x9: {  	[smem:$0x3FAD] =	sst s1  }
0xa: {  	[smem:$0x3FAE] =	sst s2  }
0xb: {  	[smem:$0x3FAF] =	sst s3  }
0xc: {  	[smem:$0x3FB0] =	sst s4  }
0xd: {  	[smem:$0x3FB1] =	sst s5  }
0xe: {  	[smem:$0x3FB2] =	sst s6  }
0xf: {  	[smem:$0x3FB3] =	sst s7  }
0x10: {  	[smem:$0x3FB4] =	sst s8  }
0x11: {  	[smem:$0x3FB5] =	sst s9;
	s0 =	simm.s32 @!p0 $0x0  }
0x12: {  	s1 =	sld [smem:$0x3F9B];
	s0 =	simm.s32 @p0 $0x1  }
0x13: {  	[smem:$0x3FB6] =	sst s0;
	s0 =	simm.s32 @!p1 $0x0  }
0x14: {  	s2 =	sld [smem:$0x3F9A];
	s0 =	simm.s32 @p1 $0x1  }
0x15: {  	[smem:$0x3FB7] =	sst s0;
	s0 =	simm.s32 @!p2 $0x0  }
0x16: {  	s3 =	sld [smem:$0x3FDB];
	s0 =	simm.s32 @p2 $0x1  }
0x17: {  	s4 =	simm.s32 $0x1BF5;
	[smem:$0x3FB9] =	sst s0  }
0x18: {  	s0 =	sld [smem:$0x3F9C];
	_ =	swait.ge [sflag:s4], $0x0  }
0x19: {  	s7 =	sld [smem:$0x3F9D]  }
0x1a: {  	s8 =	sadd.s32 $0xFFFFE003, lr  }
0x1b: {  	s9 =	sadd.s32 $0xFFFFFEF7, lr;
	s5 =	simm.s32 $0xFFFFFFFF;
	p2 =	slt.u32 s8, $0xFFFFF086  }
0x1c: {  	p1 =	slt.u32 s9, $0xF7A;
	s5 =	simm.s32 @!p2 $0x0  }
0x1d: {  	s5 =	simm.s32 @p1 $0x1;
	p0 =	seq.s32 s7, s2  }
0x1e: {  	s7 =	smul.u32 @!p0 $0xF7A, s2;
	p2 =	seq.s32 @!p0 s5, $0x0  }
0x1f: {  	s9 =	smul.u32 $0xF7A, s1;
	s8 =	simm.s32 @!p0 $0x1BF5;
	p2 =	por !p2, p0  }
0x20: {  	[sflag:s8] =	ssyncset.s32 @!p0 $0xFFFFF086;
	s6 =	sadd.s32 @!p0 s3, s7;
	s7 =	simm.s32 @!p0 $0x108  }
0x21: {  	s3 =	sadd.s32 s3, s9;
	s6 =	sadd.s32 @!p0 $0x88, s6;
	s7 =	simm.s32 @p2 $0x1082  }
0x22: {  	[simem:s7], [sflag:s8] =	dma.local @!p0 [hbm:s6], $0xF7A  }
0x23: {  	s9 =	sor.u32 $0xD0000000, s2;
	s6 =	simm.s32 $0x108;
	_ =	swait.ge @!p0 [sflag:s8], $0x0  }
0x24: {  	s3 =	sadd.s32 $0x88, s3;
	s6 =	simm.s32 @!p1 $0x1082;
	[sflag:s4] =	ssyncset.s32 $0xFFFFF086  }
0x25: {  	[simem:s6], [sflag:s4] =	dma.local [hbm:s3], $0xF7A  }
0x26: {  	[smem:$0x3F9D] =	sst s1;
	(tag) =	ssettag s2;
	_ =	strace s9  }
0x27: {  	s1 =	sld [smem:$0x3FAD]  }
0x28: {  	s2 =	sld [smem:$0x3FAE]  }
0x29: {  	s4 =	sld [smem:$0x3FB0]  }
0x2a: {  	p0 =	seq.s32 s5, $0x0;
	s5 =	sld [smem:$0x3FB1]  }
0x2b: {  	s6 =	sld [smem:$0x3FB2]  }
0x2c: {  	s7 =	sld [smem:$0x3FB3]  }
0x2d: {  	s3 =	simm.s32 $0x108;
	s8 =	sld [smem:$0x3FB4]  }
0x2e: {  	s3 =	simm.s32 @!p0 $0x1082;
	s9 =	sld [smem:$0x3FB5]  }
0x2f: {  	lr =	sadd.s32 s0, s3;
	s0 =	sld [smem:$0x3FAC]  }
0x30: {  	s3 =	sld [smem:$0x3FAF]  }
0x31: {  	[smem:$0x3FB8] =	sst s10  }
0x32: {  	s10 =	sld [smem:$0x3FB6];
	_ =	sdelay $0x3  }
0x33: {  	p0 =	seq.s32 s10, $0x1;
	s10 =	sld [smem:$0x3FB8];
	_ =	sdelay $0x3  }
0x34: {  	[smem:$0x3FB8] =	sst s10  }
0x35: {  	s10 =	sld [smem:$0x3FB7];
	_ =	sdelay $0x3  }
0x36: {  	p1 =	seq.s32 s10, $0x1;
	s10 =	sld [smem:$0x3FB8];
	_ =	sdelay $0x3  }
0x37: {  	[smem:$0x3FB8] =	sst s10  }
0x38: {  	s10 =	sld [smem:$0x3FB9]  }
0x39: {  	_ = 	snop;
	(pc) =	sbr.ind lr, $3  }
0x3a: {  	_ = 	snop  }
0x3b: {  	_ = 	snop  }
0x3c: {  	p2 =	seq.s32 s10, $0x1;
	s10 =	sld [smem:$0x3FB8]  }
0x3d: {  	_ =	shalt  }
0x3e: {  	_ =	shalt  }
0x3f: {  	_ =	shalt  }
0x40: {  	_ =	shalt  }
0x41: {  	_ =	shalt  }
0x42: {  	_ =	shalt  }
0x43: {  	_ =	shalt  }
0x44: {  	_ =	shalt  }
0x45: {  	_ =	shalt  }
0x46: {  	_ =	shalt  }
0x47: {  	_ =	shalt  }
0x48: {  	_ =	shalt  }
0x49: {  	_ =	shalt  }
0x4a: {  	_ =	shalt  }
0x4b: {  	_ =	shalt  }
0x4c: {  	_ =	shalt  }
0x4d: {  	_ =	shalt  }
0x4e: {  	_ =	shalt  }
0x4f: {  	_ =	shalt  }
0x50: {  	_ =	shalt  }
0x51: {  	_ =	shalt  }
0x52: {  	_ =	shalt  }
0x53: {  	_ =	shalt  }
0x54: {  	_ =	shalt  }
0x55: {  	_ =	shalt  }
0x56: {  	_ =	shalt  }
0x57: {  	_ =	shalt  }
0x58: {  	_ =	shalt  }
0x59: {  	_ =	shalt  }
0x5a: {  	_ =	shalt  }
0x5b: {  	_ =	shalt  }
0x5c: {  	_ =	shalt  }
0x5d: {  	_ =	shalt  }
0x5e: {  	_ =	shalt  }
0x5f: {  	_ =	shalt  }
0x60: {  	_ =	shalt  }
0x61: {  	_ =	shalt  }
0x62: {  	_ =	shalt  }
0x63: {  	_ =	shalt  }
0x64: {  	_ =	shalt  }
0x65: {  	_ =	shalt  }
0x66: {  	_ =	shalt  }
0x67: {  	_ =	shalt  }
0x68: {  	_ =	shalt  }
0x69: {  	_ =	shalt  }
0x6a: {  	_ =	shalt  }
0x6b: {  	_ =	shalt  }
0x6c: {  	_ =	shalt  }
0x6d: {  	_ =	shalt  }
0x6e: {  	_ =	shalt  }
0x6f: {  	_ =	shalt  }
0x70: {  	_ =	shalt  }
0x71: {  	_ =	shalt  }
0x72: {  	_ =	shalt  }
0x73: {  	_ =	shalt  }
0x74: {  	_ =	shalt  }
0x75: {  	_ =	shalt  }
0x76: {  	_ =	shalt  }
0x77: {  	_ =	shalt  }
0x78: {  	_ =	shalt  }
0x79: {  	_ =	shalt  }
0x7a: {  	_ =	shalt  }
0x7b: {  	_ =	shalt  }
0x7c: {  	_ =	shalt  }
0x7d: {  	_ =	shalt  }
0x7e: {  	_ =	shalt  }
0x7f: {  	_ =	shalt  }
0x80: {  	_ =	shalt  }
0x81: {  	_ =	shalt  }
0x82: {  	_ =	shalt  }
0x83: {  	_ =	shalt  }
0x84: {  	_ =	shalt  }
0x85: {  	_ =	shalt  }
0x86: {  	_ =	shalt  }
0x87: {  	_ =	shalt  }
.Lfunc_end0:
.L_simem_size_0:
called_computation_lowered:
.L_overlay_start_0:
0x88: {  	s2 =	sld [smem:$0x3FD9]  }
0x89: {  	s3 =	sld [smem:$0x3FFE];
	_ =	sdelay $0x1  }
0x8a: {  	s1 =	srdreg.scid  }
0x8b: {  	s0 =	sand.u32 $0x1, s1  }
0x8c: {  	s17 =	sshll.u32 s0, $0xA;
	s2 =	sadd.s32 s3, s2  }
0x8d: {  	s2 =	sadd.s32 s2, s17  }
0x8e: {  	[smem:$0x3FC4] =	sst s2  }
0x8f: {  	_ = 	snop  }
0x90: {  	s2 =	sld [smem:$0x3FC7]  }
0x91: {  	s18 =	sld [smem:$0x3FC6]  }
0x92: {  	s4 =	sld [smem:$0x3FD0];
	(tm) =	ssettm $0x1  }
0x93: {  	s5 =	sld [smem:$0x3FFB];
	_ =	sdelay $0x3  }
0x94: {  	_ =	strace s5  }
0x95: {  	s5 =	sld [smem:$0x3FFC];
	_ =	sdelay $0x3  }
0x96: {  	_ =	strace s5  }
0x97: {  	s5 =	sld [smem:$0x3FFD];
	_ =	sdelay $0x3  }
0x98: {  	_ =	strace s5  }
0x99: {  	_ =	strace $0x8FFFFFFF  }
0x9a: {  	s19 =	sld [smem:$0x3FDB];
	_ =	sdelay $0x1  }
0x9b: {  	s6 =	simm.s32 $_scs_section_size  }
0x9c: {  	s7 =	simm.s32 $_size__tile_overlayer_lowered;
	s8 =	simm.s32 $_tile_overlayer_lowered  }
0x9d: {  	s22 =	simm.s32 $0x1BFF;
	s21 =	sshll.u32 s8, $0x1;
	s5 =	sadd.s32 s6, s19  }
0x9e: {  	s9 =	simm.s32 $0x0;
	s20 =	sshll.u32 s7, $0x1;
	s7 =	sadd.s32 s21, s5  }
0x9f: {  	[timem:s9], [sflag:s22] =	dma.local [hbm:s7], s20  }
0xa0: {  	_ =	swait.ge [sflag:s22], s20  }
0xa1: {  	s6 =	ssub.s32 $0x0, s20;
	[sflag:s22] =	ssyncset.done $0x0  }
0xa2: {  	[sflag:s22] =	ssyncadd.s32 s6;
	_ =	sdelay $0x1  }
0xa3: {  	s23 =	simm.s32 $0x1B8B  }
0xa4: {  	_ =	swait.ge [sflag:s23], $0x1  }
0xa5: {  	[sflag:s23] =	ssyncset.done $0x0  }
0xa6: {  	s25 =	simm.s32 $0x1B8E;
	s24 =	sld [smem:$0x3FFE];
	[sflag:s23] =	ssyncadd.s32 $0xFFFFFFFF  }
0xa7: {  	s26 =	simm.s32 $execute0_lowered;
	[smem:$0x3FD2] =	sst s25  }
0xa8: {  	s7 =	sshll.u32 s26, $0x1;
	_ =	strace $0x80000046;
	[dreg:$0x1] =	wrdreg $0xFFFFFFFF  }
0xa9: {  	s28 =	simm.s32 $_size_execute0_lowered;
	s5 =	sadd.s32 s5, s7;
	[dreg:$0x0] =	wrdreg $0x0  }
0xaa: {  	s7 =	sshll.u32 s28, $0x1;
	[dreg:$0x2] =	wrdreg s5  }
0xab: {  	[dreg:$0x3] =	wrdreg s7  }
0xac: {  	[dreg:$0x4] =	wrdreg $0xC0  }
0xad: {  	_ =	task [dreg:s9], $0x5FFFF  }
0xae: {  	[dreg:$0x1] =	wrdreg $0xFFFFFFFF  }
0xaf: {  	[dreg:$0x0] =	wrdreg $0x60  }
0xb0: {  	[dreg:$0x2] =	wrdreg s24  }
0xb1: {  	[dreg:$0x3] =	wrdreg s2  }
0xb2: {  	[dreg:$0x4] =	wrdreg s18  }
0xb3: {  	[dreg:$0x5] =	wrdreg s4  }
0xb4: {  	[dreg:$0x6] =	wrdreg $0x9  }
0xb5: {  	_ =	task.clear_ibuf [dreg:s9], $0x7FFFF;
	_ =	strace $0x90000046  }
0xb6: {  	s29 =	simm.s32 $0x9;
	_ =	strace $0x80000048  }
0xb7: {  	_ =	swait.ge [sflag:s29], $0x1  }
0xb8: {  	[sflag:s29] =	ssyncadd.s32 $0xFFFFFFFF  }
0xb9: {  	_ =	strace $0x90000048  }
0xba: {  	_ =	sfence  }
0xbb: {  	s30 =	sld [smem:$0x0];
	_ =	sdelay $0x2  }
0xbc: {  	s31 =	sshll.u32 s1, $0xD;
	s1 =	sshrl.u32 s1, $0x2  }
0xbd: {  	s3 =	sand.u32 $0x4000, s31;
	s1 =	sadd.s32 s1, s30  }
0xbe: {  	s0 =	sor.u32 s3, s0;
	s1 =	sshll.u32 s1, $0x11  }
0xbf: {  	s0 =	sor.u32 s1, s0  }
0xc0: {  	s0 =	sadd.s32 $0x8F2B, s0  }
0xc1: {  	[sflag:s0] =	ssyncadd.remote.s32 $0x1  }
0xc2: {  	_ =	sfence.sel $0xFFFF  }
0xc3: {  	[dreg:$0x0] =	wrdreg $0xFFFFFFFF;
	(pc) =	sbr.abs _section_cstart, $3  }
0xc4: {  	[dreg:$0x1] =	wrdreg $0xFFFFFFFF  }
0xc5: {  	_ =	task.clear_ibuf [dreg:s9], $0x2FFFF;
	_ =	strace $0x9FFFFFFF  }
0xc6: {  	(tm) =	ssettm $0x7FFFFFFF  }
0xc7: {  	_ =	shalt  }
tec
execute0_lowered:
.L_overlay_start_1:
0x0: {  	(tag) =	ssettag $0x1  }
0x1: {  	s2 =	rddreg [dreg:$0x0]  }
0x2: {  	s1 =	rddreg [dreg:$0x1]  }
0x3: {  	s4 =	srdreg.scid;
	s3 =	rddreg [dreg:$0x2]  }
0x4: {  	s0 =	stileid.u32;
	s5 =	rddreg [dreg:$0x3]  }
0x5: {  	s16 =	simm.s32 $0x800;
	s17 =	simm.s32 $0xA00;
	s18 =	simm.s32 $0x100  }
0x6: {  	s19 =	simm.s32 $0xC00;
	s7 =	sand.u32 $0x1, s4;
	s4 =	simm.s32 $0x0  }
0x7: {  	s20 =	simm.s32 $0x180;
	s21 =	simm.s32 $0xE00;
	[smem:$0x7FF] =	sst s4  }
0x8: {  	s23 =	simm.s32 $0x200;
	_ =	strace $0x80000047;
	[dreg:$0x7] =	wrdreg s16  }
0x9: {  	s24 =	simm.s32 $0x880;
	s25 =	simm.s32 $0x280;
	[dreg:$0x8] =	wrdreg s17  }
0xa: {  	s26 =	simm.s32 $0xA80;
	s9 =	simm.s32 $0x80;
	[dreg:$0x9] =	wrdreg s18  }
0xb: {  	s13 =	simm.s32 $0xE80;
	s14 =	simm.s32 $0x400;
	[dreg:$0xa] =	wrdreg s19  }
0xc: {  	s28 =	simm.s32 $0xD80;
	s29 =	simm.s32 $0x780;
	[dreg:$0xb] =	wrdreg s20  }
0xd: {  	s30 =	simm.s32 $0xF80;
	s15 =	sshll.u32 s0, $0x1;
	[dreg:$0xc] =	wrdreg s21  }
0xe: {  	s31 =	simm.s32 $0x1;
	s6 =	sor.u32 s7, s15;
	[dreg:$0xd] =	wrdreg s23  }
0xf: {  	s7 =	ssub.s32 $0x2, s7;
	s15 =	simm.s32 $0x900;
	[dreg:$0xe] =	wrdreg s24  }
0x10: {  	s8 =	sshll.u32 s6, $0x8;
	s6 =	sshll.u32 s6, $0x6;
	[dreg:$0xf] =	wrdreg s25  }
0x11: {  	s22 =	sshrl.u32 s7, $0x1;
	[dreg:$0x10] =	wrdreg s26;
	s16 =	simm.s32 $0x480  }
0x12: {  	s17 =	simm.s32 $0xB00;
	s18 =	simm.s32 $0x500;
	s19 =	simm.s32 $0xD00  }
0x13: {  	s20 =	simm.s32 $0x580;
	s21 =	simm.s32 $0xF00;
	s23 =	simm.s32 $0x980  }
0x14: {  	s24 =	simm.s32 $0x680;
	s25 =	simm.s32 $0xB80;
	s26 =	simm.s32 $0x700  }
0x15: {  	s8 =	sadd.s32 s8, s2;
	s5 =	sadd.s32 s5, s6;
	s6 =	sadd.s32 $0x3200, s2  }
0x16: {  	s7 =	ssub.s32 s7, s22;
	s22 =	simm.s32 $0x600;
	s8 =	sadd.s32 $0x1000, s8  }
0x17: {  	[dreg:$0x6] =	wrdreg s5;
	s5 =	sadd.s32 $0x3000, s2;
	s7 =	smax.u32 s7, $0x1  }
0x18: {  	s2 =	simm.s32 $0x1000;
	[dreg:$0x5] =	wrdreg s8;
	s8 =	simm.s32 $0x2  }
.LBB2_1:
0x19: {  	s0 =	rddreg [dreg:$0x5]  }
0x1a: {  	[tilespmem:s4], [sflag:$0x2] =	stream.linear.gather [hbm4b:s0+s4], $0x800, $0x38;
	[tilespmem:$0x1200] =	vst v63  }
0x1b: {  	_ =	swait.ge [sflag:s8], $0x800  }
0x1c: {  	s12 =	rddreg [dreg:$0x7]  }
0x1d: {  	s10 =	rddreg [dreg:$0x8]  }
0x1e: {  	[sflag:s8] =	ssyncset.done $0x0;
	s0 =	rddreg [dreg:$0x9]  }
0x1f: {  	s11 =	rddreg [dreg:$0xb];
	[sflag:s8] =	ssyncadd.s32 $0xFFFFF800  }
0x20: {  	[tilespmem:s12], [sflag:$0x1] =	stream.indirect.gather [hbm4b:s5+s9], $0x1, s4, s9, $0xb8;
	[tilespmem:$0x1200] =	vst v63  }
0x21: {  	s12 =	rddreg [dreg:$0xc]  }
0x22: {  	[tilespmem:s10], [sflag:$0x1] =	stream.indirect.gather [hbm4b:s5+s9], $0x1, s9, s9, $0xb8;
	[tilespmem:$0x1200] =	vst v63  }
0x23: {  	s10 =	rddreg [dreg:$0xa]  }
0x24: {  	[tilespmem:s10], [sflag:$0x1] =	stream.indirect.gather [hbm4b:s5+s9], $0x1, s0, s9, $0xb8;
	[tilespmem:$0x1200] =	vst v63  }
0x25: {  	s0 =	rddreg [dreg:$0xd]  }
0x26: {  	s10 =	rddreg [dreg:$0xe]  }
0x27: {  	[tilespmem:s12], [sflag:$0x1] =	stream.indirect.gather [hbm4b:s5+s9], $0x1, s11, s9, $0xb8;
	[tilespmem:$0x1200] =	vst v63  }
0x28: {  	s11 =	rddreg [dreg:$0xf]  }
0x29: {  	[tilespmem:s10], [sflag:$0x1] =	stream.indirect.gather [hbm4b:s6+s9], $0x1, s0, s9, $0xb8;
	[tilespmem:$0x1200] =	vst v63  }
0x2a: {  	s12 =	rddreg [dreg:$0x10]  }
0x2b: {  	[tilespmem:s12], [sflag:$0x1] =	stream.indirect.gather [hbm4b:s6+s9], $0x1, s11, s9, $0xb8;
	[tilespmem:$0x1200] =	vst v63  }
0x2c: {  	s11 =	simm.s32 $0x300;
	s12 =	simm.s32 $0xC80  }
0x2d: {  	[tilespmem:s12], [sflag:$0x1] =	stream.indirect.gather [hbm4b:s6+s9], $0x1, s11, s9, $0xb8;
	[tilespmem:$0x1200] =	vst v63  }
0x2e: {  	s11 =	simm.s32 $0x380  }
0x2f: {  	[tilespmem:s13], [sflag:$0x1] =	stream.indirect.gather [hbm4b:s6+s9], $0x1, s11, s9, $0xb8;
	[tilespmem:$0x1200] =	vst v63  }
0x30: {  	_ = 	snop  }
0x31: {  	[tilespmem:s15], [sflag:$0x1] =	stream.indirect.gather [hbm4b:s1+s9], $0x1, s14, s9, $0xb8;
	[tilespmem:$0x1200] =	vst v63  }
0x32: {  	_ = 	snop  }
0x33: {  	[tilespmem:s17], [sflag:$0x1] =	stream.indirect.gather [hbm4b:s1+s9], $0x1, s16, s9, $0xb8;
	[tilespmem:$0x1200] =	vst v63  }
0x34: {  	_ = 	snop  }
0x35: {  	[tilespmem:s19], [sflag:$0x1] =	stream.indirect.gather [hbm4b:s1+s9], $0x1, s18, s9, $0xb8;
	[tilespmem:$0x1200] =	vst v63  }
0x36: {  	_ = 	snop  }
0x37: {  	[tilespmem:s21], [sflag:$0x1] =	stream.indirect.gather [hbm4b:s1+s9], $0x1, s20, s9, $0xb8;
	[tilespmem:$0x1200] =	vst v63  }
0x38: {  	_ = 	snop  }
0x39: {  	[tilespmem:s23], [sflag:$0x1] =	stream.indirect.gather [hbm4b:s3+s9], $0x1, s22, s9, $0xb8;
	[tilespmem:$0x1200] =	vst v63  }
0x3a: {  	_ = 	snop  }
0x3b: {  	[tilespmem:s25], [sflag:$0x1] =	stream.indirect.gather [hbm4b:s3+s9], $0x1, s24, s9, $0xb8;
	[tilespmem:$0x1200] =	vst v63  }
0x3c: {  	_ = 	snop  }
0x3d: {  	[tilespmem:s28], [sflag:$0x1] =	stream.indirect.gather [hbm4b:s3+s9], $0x1, s26, s9, $0xb8;
	[tilespmem:$0x1200] =	vst v63  }
0x3e: {  	_ = 	snop  }
0x3f: {  	[tilespmem:s30], [sflag:$0x1] =	stream.indirect.gather [hbm4b:s3+s9], $0x1, s29, s9, $0xb8;
	[tilespmem:$0x1200] =	vst v63  }
0x40: {  	_ =	swait.ge [sflag:s31], $0x80  }
0x41: {  	[sflag:s31] =	ssyncset.done $0x0  }
0x42: {  	[sflag:s31] =	ssyncadd.s32 $0xFFFFFF80  }
0x43: {  	_ =	swait.ge [sflag:s31], $0x80  }
0x44: {  	[sflag:s31] =	ssyncset.done $0x0  }
0x45: {  	[sflag:s31] =	ssyncadd.s32 $0xFFFFFF80  }
0x46: {  	_ =	swait.ge [sflag:s31], $0x80  }
0x47: {  	[sflag:s31] =	ssyncset.done $0x0  }
0x48: {  	[sflag:s31] =	ssyncadd.s32 $0xFFFFFF80  }
0x49: {  	_ =	swait.ge [sflag:s31], $0x80  }
0x4a: {  	[sflag:s31] =	ssyncset.done $0x0  }
0x4b: {  	[sflag:s31] =	ssyncadd.s32 $0xFFFFFF80  }
0x4c: {  	_ =	swait.ge [sflag:s31], $0x80  }
0x4d: {  	[sflag:s31] =	ssyncset.done $0x0  }
0x4e: {  	[sflag:s31] =	ssyncadd.s32 $0xFFFFFF80  }
0x4f: {  	_ =	swait.ge [sflag:s31], $0x80  }
0x50: {  	[sflag:s31] =	ssyncset.done $0x0  }
0x51: {  	[sflag:s31] =	ssyncadd.s32 $0xFFFFFF80  }
0x52: {  	_ =	swait.ge [sflag:s31], $0x80  }
0x53: {  	[sflag:s31] =	ssyncset.done $0x0  }
0x54: {  	[sflag:s31] =	ssyncadd.s32 $0xFFFFFF80  }
0x55: {  	_ =	swait.ge [sflag:s31], $0x80  }
0x56: {  	[sflag:s31] =	ssyncset.done $0x0  }
0x57: {  	[sflag:s31] =	ssyncadd.s32 $0xFFFFFF80  }
0x58: {  	_ =	swait.ge [sflag:s31], $0x80  }
0x59: {  	[sflag:s31] =	ssyncset.done $0x0  }
0x5a: {  	[sflag:s31] =	ssyncadd.s32 $0xFFFFFF80  }
0x5b: {  	_ =	swait.ge [sflag:s31], $0x80  }
0x5c: {  	[sflag:s31] =	ssyncset.done $0x0  }
0x5d: {  	[sflag:s31] =	ssyncadd.s32 $0xFFFFFF80  }
0x5e: {  	_ =	swait.ge [sflag:s31], $0x80  }
0x5f: {  	[sflag:s31] =	ssyncset.done $0x0  }
0x60: {  	[sflag:s31] =	ssyncadd.s32 $0xFFFFFF80  }
0x61: {  	_ =	swait.ge [sflag:s31], $0x80  }
0x62: {  	[sflag:s31] =	ssyncset.done $0x0  }
0x63: {  	[sflag:s31] =	ssyncadd.s32 $0xFFFFFF80  }
0x64: {  	_ =	swait.ge [sflag:s31], $0x80  }
0x65: {  	[sflag:s31] =	ssyncset.done $0x0  }
0x66: {  	[sflag:s31] =	ssyncadd.s32 $0xFFFFFF80  }
0x67: {  	_ =	swait.ge [sflag:s31], $0x80  }
0x68: {  	[sflag:s31] =	ssyncset.done $0x0  }
0x69: {  	[sflag:s31] =	ssyncadd.s32 $0xFFFFFF80  }
0x6a: {  	_ =	swait.ge [sflag:s31], $0x80  }
0x6b: {  	[sflag:s31] =	ssyncset.done $0x0  }
0x6c: {  	[sflag:s31] =	ssyncadd.s32 $0xFFFFFF80  }
0x6d: {  	_ =	swait.ge [sflag:s31], $0x80  }
0x6e: {  	[sflag:s31] =	ssyncset.done $0x0  }
0x6f: {  	[sflag:s31] =	ssyncadd.s32 $0xFFFFFF80  }
0x70: {  	v0 =	vld [tilespmem:$0x800]  }
0x71: {  	v1 =	vld [tilespmem:$0x880]  }
0x72: {  	v2 =	vld [tilespmem:$0x900]  }
0x73: {  	v3 =	vld [tilespmem:$0x980]  }
0x74: {  	v4 =	vld [tilespmem:$0x810]  }
0x75: {  	v5 =	vld [tilespmem:$0x890]  }
0x76: {  	v6 =	vld [tilespmem:$0x910]  }
0x77: {  	v7 =	vld [tilespmem:$0x990]  }
0x78: {  	v8 =	vld [tilespmem:$0x820]  }
0x79: {  	v9 =	vld [tilespmem:$0x8A0]  }
0x7a: {  	v10 =	vld [tilespmem:$0x920]  }
0x7b: {  	v11 =	vld [tilespmem:$0x9A0]  }
0x7c: {  	v12 =	vld [tilespmem:$0x830]  }
0x7d: {  	v13 =	vld [tilespmem:$0x8B0]  }
0x7e: {  	v14 =	vld [tilespmem:$0x930]  }
0x7f: {  	v15 =	vld [tilespmem:$0x9B0]  }
0x80: {  	v16 =	vld [tilespmem:$0x840]  }
0x81: {  	v17 =	vld [tilespmem:$0x8C0]  }
0x82: {  	v18 =	vld [tilespmem:$0x940]  }
0x83: {  	v19 =	vld [tilespmem:$0x9C0]  }
0x84: {  	v20 =	vld [tilespmem:$0x850]  }
0x85: {  	v21 =	vld [tilespmem:$0x8D0]  }
0x86: {  	v22 =	vld [tilespmem:$0x950]  }
0x87: {  	v23 =	vld [tilespmem:$0x9D0]  }
0x88: {  	v24 =	vld [tilespmem:$0x860]  }
0x89: {  	v25 =	vld [tilespmem:$0x8E0]  }
0x8a: {  	v26 =	vld [tilespmem:$0x960]  }
0x8b: {  	v27 =	vld [tilespmem:$0x9E0]  }
0x8c: {  	v28 =	vld [tilespmem:$0x870]  }
0x8d: {  	v29 =	vld [tilespmem:$0x8F0]  }
0x8e: {  	v30 =	vld [tilespmem:$0x970]  }
0x8f: {  	v31 =	vld [tilespmem:$0x9F0]  }
0x90: {  	v32 =	vld [tilespmem:$0xA00]  }
0x91: {  	v33 =	vld [tilespmem:$0xA80]  }
0x92: {  	v34 =	vld [tilespmem:$0xB00]  }
0x93: {  	v35 =	vld [tilespmem:$0xB80]  }
0x94: {  	v36 =	vld [tilespmem:$0xA10]  }
0x95: {  	v37 =	vld [tilespmem:$0xA90]  }
0x96: {  	v38 =	vld [tilespmem:$0xB10]  }
0x97: {  	v39 =	vld [tilespmem:$0xB90]  }
0x98: {  	v40 =	vld [tilespmem:$0xA20]  }
0x99: {  	v41 =	vld [tilespmem:$0xAA0]  }
0x9a: {  	v42 =	vld [tilespmem:$0xB20]  }
0x9b: {  	v43 =	vld [tilespmem:$0xBA0]  }
0x9c: {  	v44 =	vld [tilespmem:$0xA30]  }
0x9d: {  	v45 =	vld [tilespmem:$0xAB0]  }
0x9e: {  	v46 =	vld [tilespmem:$0xB30]  }
0x9f: {  	v47 =	vld [tilespmem:$0xBB0]  }
0xa0: {  	v48 =	vld [tilespmem:$0xA40]  }
0xa1: {  	v49 =	vld [tilespmem:$0xAC0]  }
0xa2: {  	v50 =	vld [tilespmem:$0xB40]  }
0xa3: {  	v51 =	vld [tilespmem:$0xBC0]  }
0xa4: {  	v52 =	vld [tilespmem:$0xA50]  }
0xa5: {  	v53 =	vld [tilespmem:$0xAD0]  }
0xa6: {  	v54 =	vld [tilespmem:$0xB50]  }
0xa7: {  	v55 =	vld [tilespmem:$0xBD0]  }
0xa8: {  	v56 =	vld [tilespmem:$0xA60]  }
0xa9: {  	v61 =	vld [tilespmem:$0xAE0]  }
0xaa: {  	v62 =	vld [tilespmem:$0xB60]  }
0xab: {  	v59 =	vld [tilespmem:$0xBE0]  }
0xac: {  	v63 =	vld [tilespmem:$0xA70]  }
0xad: {  	v60 =	vld [tilespmem:$0xC00]  }
0xae: {  	v57 =	vld [tilespmem:$0xC10]  }
0xaf: {  	v58 =	vld [tilespmem:$0xC20]  }
0xb0: {  	[tilespmem:$0x1FEC0] =	vst v61;
	v61 =	vld [tilespmem:$0xAF0]  }
0xb1: {  	[tilespmem:$0x1FED0] =	vst v62;
	v62 =	vld [tilespmem:$0xB70]  }
0xb2: {  	[tilespmem:$0x1FEE0] =	vst v63;
	v63 =	vld [tilespmem:$0xBF0]  }
0xb3: {  	[tilespmem:$0x1FEF0] =	vst v60;
	v60 =	vld [tilespmem:$0xC80]  }
0xb4: {  	[tilespmem:$0x1FEB0] =	vst v56;
	v56 =	vld [tilespmem:$0xD80]  }
0xb5: {  	[tilespmem:$0x1FF10] =	vst v57;
	v57 =	vld [tilespmem:$0xC90]  }
0xb6: {  	[tilespmem:$0x1FF40] =	vst v58;
	v58 =	vld [tilespmem:$0xCA0]  }
0xb7: {  	v0 =	vadd.f32 v1, v0;
	v1 =	vadd.f32 v3, v2;
	v2 =	vld [tilespmem:$0xCD0]  }
0xb8: {  	v3 =	vadd.f32 v5, v4;
	v5 =	vld [tilespmem:$0xD50]  }
0xb9: {  	v4 =	vadd.f32 v7, v6;
	v6 =	vld [tilespmem:$0xDD0]  }
0xba: {  	v7 =	vadd.f32 v11, v10;
	v11 =	vld [tilespmem:$0xD60]  }
0xbb: {  	v10 =	vadd.f32 v15, v14;
	v14 =	vld [tilespmem:$0xDE0]  }
0xbc: {  	v15 =	vadd.f32 v25, v24;
	v24 =	vld [tilespmem:$0xE80]  }
0xbd: {  	v35 =	vadd.f32 v35, v34;
	v34 =	vld [tilespmem:$0xF90]  }
0xbe: {  	v31 =	vadd.f32 v31, v30;
	v30 =	vld [tilespmem:$0xF20]  }
0xbf: {  	v37 =	vadd.f32 v37, v36;
	v44 =	vadd.f32 v45, v44;
	v36 =	vld [tilespmem:$0xE30]  }
0xc0: {  	v45 =	vadd.f32 v47, v46;
	v47 =	vadd.f32 v51, v50;
	v50 =	vld [tilespmem:$0x1FEB0]  }
0xc1: {  	v51 =	vld [tilespmem:$0x1FEC0]  }
0xc2: {  	v46 =	vadd.f32 v49, v48;
	v48 =	vadd.f32 v53, v52;
	v52 =	vld [tilespmem:$0x1FED0]  }
0xc3: {  	v53 =	vld [tilespmem:$0x1FEE0]  }
0xc4: {  	v49 =	vadd.f32 v55, v54;
	v55 =	vld [tilespmem:$0x1FEF0]  }
0xc5: {  	v0 =	vadd.f32 v1, v0;
	v1 =	vadd.f32 v4, v3;
	v3 =	vld [tilespmem:$0xC60]  }
0xc6: {  	v4 =	vadd.f32 v9, v8;
	v8 =	vld [tilespmem:$0xCE0]  }
0xc7: {  	v9 =	vadd.f32 v13, v12;
	v12 =	vadd.f32 v17, v16;
	v17 =	vld [tilespmem:$0xC70]  }
0xc8: {  	v13 =	vadd.f32 v19, v18;
	v18 =	vld [tilespmem:$0xDF0]  }
0xc9: {  	[tilespmem:$0x1FF50] =	vst v58;
	v58 =	vld [tilespmem:$0xD20]  }
0xca: {  	v39 =	vadd.f32 v39, v38;
	v16 =	vadd.f32 v27, v26;
	v27 =	vld [tilespmem:$0xF00]  }
0xcb: {  	v19 =	vadd.f32 v29, v28;
	v28 =	vld [tilespmem:$0xE90]  }
0xcc: {  	v23 =	vadd.f32 v23, v22;
	v22 =	vadd.f32 v39, v37;
	v37 =	vld [tilespmem:$0xE20]  }
0xcd: {  	v33 =	vadd.f32 v33, v32;
	v26 =	vld [tilespmem:$0xEA0]  }
0xce: {  	[tilespmem:$0x1FF60] =	vst v58;
	v58 =	vld [tilespmem:$0xDA0]  }
0xcf: {  	v21 =	vadd.f32 v21, v20;
	v20 =	vadd.f32 v35, v33;
	v33 =	vld [tilespmem:$0xFA0]  }
0xd0: {  	v39 =	vld [tilespmem:$0xEB0]  }
0xd1: {  	v25 =	vadd.f32 v45, v44;
	v45 =	vld [tilespmem:$0x1FF40]  }
0xd2: {  	v35 =	vld [tilespmem:$0xEC0]  }
0xd3: {  	[tilespmem:$0x1FF70] =	vst v58;
	v58 =	vld [tilespmem:$0xC30]  }
0xd4: {  	v4 =	vadd.f32 v7, v4;
	v7 =	vadd.f32 v10, v9;
	v9 =	vld [tilespmem:$0xCF0]  }
0xd5: {  	v10 =	vadd.f32 v13, v12;
	v13 =	vld [tilespmem:$0xD70]  }
0xd6: {  	v12 =	vadd.f32 v23, v21;
	v21 =	vld [tilespmem:$0xE00]  }
0xd7: {  	v15 =	vadd.f32 v16, v15;
	v16 =	vadd.f32 v31, v19;
	v19 =	vld [tilespmem:$0xF80]  }
0xd8: {  	[tilespmem:$0x1FF80] =	vst v58;
	v58 =	vld [tilespmem:$0xCB0]  }
0xd9: {  	v41 =	vadd.f32 v41, v40;
	v43 =	vadd.f32 v43, v42;
	v23 =	vld [tilespmem:$0xE10]  }
0xda: {  	v31 =	vld [tilespmem:$0xF10]  }
0xdb: {  	[tilespmem:$0x1000] =	vst v0;
	v0 =	vadd.f32 v43, v41;
	v41 =	vld [tilespmem:$0xF30]  }
0xdc: {  	v43 =	vld [tilespmem:$0xFC0]  }
0xdd: {  	[tilespmem:$0x1FF90] =	vst v58;
	v58 =	vld [tilespmem:$0xD30]  }
0xde: {  	[tilespmem:$0x1FF00] =	vst v60;
	v60 =	vld [tilespmem:$0xD00]  }
0xdf: {  	[tilespmem:$0x1FF20] =	vst v57;
	v57 =	vld [tilespmem:$0xD10]  }
0xe0: {  	v54 =	vadd.f32 v63, v62;
	v62 =	vld [tilespmem:$0x1FF10]  }
0xe1: {  	v5 =	vadd.f32 v6, v5;
	v6 =	vld [tilespmem:$0xE50]  }
0xe2: {  	[tilespmem:$0x1FFA0] =	vst v58;
	v58 =	vld [tilespmem:$0xDB0]  }
0xe3: {  	v32 =	vadd.f32 v59, v52;
	v59 =	vld [tilespmem:$0x1FF00]  }
0xe4: {  	v63 =	vld [tilespmem:$0x1FF20]  }
0xe5: {  	[tilespmem:$0x1060] =	vst v15;
	v15 =	vld [tilespmem:$0xFB0]  }
0xe6: {  	[tilespmem:$0x1070] =	vst v16;
	v16 =	vld [tilespmem:$0xE40]  }
0xe7: {  	[tilespmem:$0x1FFB0] =	vst v58;
	v58 =	vld [tilespmem:$0xC40]  }
0xe8: {  	[tilespmem:$0x1010] =	vst v1;
	v1 =	vadd.f32 v47, v46;
	v46 =	vld [tilespmem:$0x1FF50]  }
0xe9: {  	[tilespmem:$0x1FF30] =	vst v57;
	v57 =	vld [tilespmem:$0xD90]  }
0xea: {  	[tilespmem:$0x1030] =	vst v7;
	v7 =	vadd.f32 v61, v53;
	v61 =	vadd.f32 v56, v60;
	v60 =	vld [tilespmem:$0xFD0]  }
0xeb: {  	v44 =	vld [tilespmem:$0x1FF30]  }
0xec: {  	[tilespmem:$0x1FFC0] =	vst v58;
	v58 =	vld [tilespmem:$0xCC0]  }
0xed: {  	v47 =	vld [tilespmem:$0x1FF60]  }
0xee: {  	[tilespmem:$0x1050] =	vst v12;
	v12 =	vadd.f32 v63, v62;
	v63 =	vld [tilespmem:$0xE60]  }
0xef: {  	v29 =	vadd.f32 v49, v48;
	v48 =	vld [tilespmem:$0x1FF70]  }
0xf0: {  	v40 =	vadd.f32 v57, v44;
	v44 =	vld [tilespmem:$0xF60]  }
0xf1: {  	[tilespmem:$0x1FFD0] =	vst v58;
	v58 =	vld [tilespmem:$0xD40]  }
0xf2: {  	[tilespmem:$0x1020] =	vst v4;
	v4 =	vadd.f32 v51, v50;
	v12 =	vadd.f32 v40, v12;
	v40 =	vld [tilespmem:$0xF40]  }
0xf3: {  	[tilespmem:$0x1080] =	vst v20;
	v49 =	vld [tilespmem:$0x1FF80]  }
0xf4: {  	[tilespmem:$0x10B0] =	vst v25;
	v4 =	vadd.f32 v32, v4;
	v32 =	vadd.f32 v48, v47;
	v47 =	vld [tilespmem:$0xFE0]  }
0xf5: {  	[tilespmem:$0x10D0] =	vst v29;
	v3 =	vadd.f32 v8, v3;
	v50 =	vld [tilespmem:$0x1FF90]  }
0xf6: {  	v7 =	vadd.f32 v54, v7;
	v25 =	vadd.f32 v24, v21;
	[tilespmem:$0x1FFE0] =	vst v58;
	v58 =	vld [tilespmem:$0xDC0]  }
0xf7: {  	[tilespmem:$0x1040] =	vst v10;
	v29 =	vadd.f32 v19, v27;
	v10 =	vadd.f32 v59, v55;
	v51 =	vld [tilespmem:$0x1FFA0]  }
0xf8: {  	[tilespmem:$0x1090] =	vst v22;
	v20 =	vadd.f32 v46, v45;
	v59 =	vadd.f32 v14, v11;
	v52 =	vld [tilespmem:$0x1FFB0]  }
0xf9: {  	[tilespmem:$0x10A0] =	vst v0;
	v62 =	vadd.f32 v18, v13;
	v15 =	vadd.f32 v15, v41;
	v53 =	vld [tilespmem:$0x1FFC0]  }
0xfa: {  	[tilespmem:$0x10C0] =	vst v1;
	v10 =	vadd.f32 v61, v10;
	v61 =	vadd.f32 v9, v17;
	v54 =	vld [tilespmem:$0x1FFD0]  }
0xfb: {  	v45 =	vadd.f32 v59, v3;
	v57 =	vadd.f32 v32, v20;
	[tilespmem:$0x1FFF0] =	vst v58;
	v58 =	vld [tilespmem:$0xC50]  }
0xfc: {  	[tilespmem:$0x10E0] =	vst v4;
	v46 =	vadd.f32 v62, v61;
	v48 =	vadd.f32 v29, v25;
	v55 =	vld [tilespmem:$0x1FFE0]  }
0xfd: {  	[tilespmem:$0x1120] =	vst v57;
	v57 =	vadd.f32 v43, v40;
	v4 =	vadd.f32 v47, v44;
	v56 =	vld [tilespmem:$0x1FFF0]  }
0xfe: {  	[tilespmem:$0x10F0] =	vst v7;
	v32 =	vld [tilespmem:$0xEE0];
	v22 =	vadd.f32 v50, v49;
	v38 =	vadd.f32 v52, v51  }
0xff: {  	[tilespmem:$0x1100] =	vst v10;
	v50 =	vld [tilespmem:$0xE70];
	v51 =	vadd.f32 v26, v37;
	v52 =	vadd.f32 v33, v30  }
0x100: {  	[tilespmem:$0x1160] =	vst v45;
	v0 =	vadd.f32 v54, v53;
	v53 =	vld [tilespmem:$0xEF0];
	v2 =	vadd.f32 v2, v58  }
0x101: {  	[tilespmem:$0x1170] =	vst v46;
	v54 =	vadd.f32 v39, v36;
	v58 =	vadd.f32 v38, v22;
	v22 =	vld [tilespmem:$0xED0]  }
0x102: {  	[tilespmem:$0x1110] =	vst v12;
	v42 =	vadd.f32 v56, v55;
	v2 =	vadd.f32 v5, v2;
	v5 =	vld [tilespmem:$0xF50]  }
0x103: {  	[tilespmem:$0x1180] =	vst v48;
	v38 =	vadd.f32 v28, v23;
	v55 =	vld [tilespmem:$0xF70];
	v56 =	vadd.f32 v35, v16  }
0x104: {  	[tilespmem:$0x1130] =	vst v58;
	v58 =	vld [tilespmem:$0xFF0];
	v0 =	vadd.f32 v42, v0;
	v42 =	vadd.f32 v34, v31  }
0x105: {  	v61 =	vadd.f32 v53, v50;
	v1 =	vadd.f32 v57, v56;
	[tilespmem:$0x1150] =	vst v2  }
0x106: {  	v2 =	vadd.f32 v15, v54;
	v49 =	vadd.f32 v42, v38;
	[tilespmem:$0x1140] =	vst v0  }
0x107: {  	v59 =	vadd.f32 v22, v6;
	[tilespmem:$0x11C0] =	vst v1;
	v5 =	vadd.f32 v60, v5  }
0x108: {  	v0 =	vadd.f32 v52, v51;
	[tilespmem:$0x11B0] =	vst v2;
	v60 =	vadd.f32 v32, v63  }
0x109: {  	[tilespmem:$0x1190] =	vst v49;
	v62 =	vadd.f32 v58, v55;
	v3 =	vadd.f32 v5, v59  }
0x10a: {  	[tilespmem:$0x11A0] =	vst v0;
	v0 =	vadd.f32 v4, v60  }
0x10b: {  	v63 =	vadd.f32 v62, v61;
	[tilespmem:$0x11D0] =	vst v3  }
0x10c: {  	p0 =	sne.s32 s7, $0x1;
	[tilespmem:$0x11E0] =	vst v0  }
.Ltmp0:
0x10d: {  	s12 =	rddreg [dreg:$0x6];
	[tilespmem:$0x11F0] =	vst v63;
	(pc) =	sbr.rel @p0 .LBB2_1-.Ltmp0, $4  }
0x10e: {  	[hbm4b:s12+s4] =	stream.linear.scatter [tilespmem:s2], [sflag:$0x2], $0x200, $0x38;
	[tilespmem:$0x1200] =	vst v63  }
0x10f: {  	_ =	swait.ge [sflag:s8], $0x200  }
0x110: {  	[sflag:s8] =	ssyncset.done $0x0  }
0x111: {  	s7 =	sadd.s32 $0xFFFFFFFF, s7;
	[sflag:s8] =	ssyncadd.s32 $0xFFFFFE00  }
0x112: {  	_ =	sfence.sel $0x180000  }
0x113: {  	[bflag:$0x0] =	sbarrier.arrive $0xFFFF  }
0x114: {  	_ =	strace $0x90000047  }
0x115: {  	s0 =	stileid.u32;
	[bflag:$0x2] =	sbarrier.arrive $0xFFFF  }
0x116: {  	p0 =	sne.s32 s0, $0x0;
	s0 =	rddreg [dreg:$0x4]  }
0x117: {  	s0 =	sadd.s32 @!p0 $0x100000, s0  }
0x118: {  	[sflag:s0] =	ssyncadd.tile.s32 @!p0 $0x1;
	_ =	shalt  }
.Lfunc_end2:
_tile_overlayer_lowered:
.L_overlay_start_2:
0x119: {  	(tag) =	ssettag $0x2  }
0x11a: {  	s0 =	rddreg [dreg:$0x0];
	s2 =	stileid.u32  }
0x11b: {  	s1 =	rddreg [dreg:$0x1];
	p0 =	sne.s32 s2, $0x0  }
0x11c: {  	s3 =	rddreg [dreg:$0x2];
	[bflag:$0x3] =	sbarrier.arrive $0xFFFF;
	s2 =	simm.s32 @!p0 $0x1C02  }
0x11d: {  	[timem:s3], [sflag:s2] =	dma.local @!p0 [hbm:s0], s1  }
0x11e: {  	s0 =	simm.s32 @!p0 $0x2  }
0x11f: {  	_ =	swait.ge @!p0 [sflag:s0], s1  }
0x120: {  	s1 =	ssub.s32 @!p0 $0x0, s1;
	[sflag:s0] =	ssyncset.done @!p0 $0x0  }
0x121: {  	[sflag:s0] =	ssyncadd.s32 @!p0 s1  }
0x122: {  	[bflag:$0x3] =	sbarrier.arrive $0xFFFF  }
0x123: {  	_ =	shalt  }

</sc_bundles>
